<compile_context>
chip_gen: v7x
topology: tpu7x:2x2x1
jax: 0.10.2.dev20260603
libtpu: 0.0.44.dev20260713+nightly
codegen_flags: <defaults>
</compile_context>

<pallas_src>
import functools

import jax
import jax.numpy as jnp
from jax import lax
from jax.experimental import pallas as pl
from jax.experimental.pallas import tpu as pltpu
from jax.experimental.pallas import tpu_sc as plsc

_N_PRED = 512
_N_CLS = 128
_B = 16
_S = 4096
_NT = _B * _N_CLS
_NW = 32
_PPW = _N_PRED // _NW
_L = 16
_KW = _PPW * _NT
_HW = _N_PRED * _NT
_ZW = 4096
_NCH = _S // _N_CLS


def _sc_hist_iou(pred, targ):
  mesh = plsc.VectorSubcoreMesh(core_axis_name="c", subcore_axis_name="s")

  @functools.partial(
      pl.kernel,
      out_type=jax.ShapeDtypeStruct((_N_PRED, _N_CLS), jnp.float32),
      mesh=mesh,
      compiler_params=pltpu.CompilerParams(
          use_tc_tiling_on_sc=False, needs_layout_passes=False),
      scratch_types=[
          pltpu.VMEM((_S,), jnp.int32),
          pltpu.VMEM((_S,), jnp.int32),
          pltpu.VMEM((_NCH, _N_CLS), jnp.int32),
          pltpu.VMEM((_KW,), jnp.float32),
          pltpu.VMEM((_NT,), jnp.float32),
          pltpu.VMEM((_N_CLS,), jnp.float32),
          pltpu.VMEM((_PPW, _N_CLS), jnp.float32),
          pltpu.VMEM((_ZW,), jnp.float32),
          pltpu.VMEM((_N_CLS,), jnp.float32),
          pltpu.VMEM_SHARED((_HW,), jnp.float32),
          pltpu.VMEM_SHARED((_NT,), jnp.float32),
          pltpu.SemaphoreType.DMA,
          pltpu.SemaphoreType.DMA,
          pltpu.SemaphoreType.DMA,
      ],
  )
  def run(pred_hbm, targ_hbm, out_hbm, pbuf, tbuf, kbuf, hblk, ntv, ntloc,
          outv, zbuf, oneb, hsh, ntsh, semk, semz, sems):
    cid = lax.axis_index("c")
    sid = lax.axis_index("s")
    wid = sid * 2 + cid
    lo = wid * _PPW
    zer = jnp.zeros((_L,), jnp.float32)
    one = jnp.ones((_L,), jnp.float32)

    cpp = pltpu.async_copy(pred_hbm.at[sid], pbuf, semk)
    cpt = pltpu.async_copy(targ_hbm.at[sid], tbuf, semk)

    def zero_z(i, c):
      for k in range(8):
        zbuf[pl.ds(i * (8 * _L) + k * _L, _L)] = zer
      return c
    lax.fori_loop(0, _ZW // (8 * _L), zero_z, 0)
    for k in range(_N_CLS // _L):
      ntloc[pl.ds(k * _L, _L)] = zer
      oneb[pl.ds(k * _L, _L)] = one

    zcopies = [
        pltpu.async_copy(
            zbuf, hsh.at[pl.ds(sid * (_HW // 16) + i * _ZW, _ZW)], semz)
        for i in range(_HW // 16 // _ZW)
    ]
    cpp.wait()
    cpt.wait()

    boff = sid * _N_CLS

    def key_build(j, c):
      for k in range(_N_CLS // _L):
        o = j * _N_CLS + k * _L
        pv = pbuf[pl.ds(o, _L)]
        tv = tbuf[pl.ds(o, _L)]
        kbuf[j, pl.ds(k * _L, _L)] = (pv << 11) + (tv + boff)
        plsc.addupdate_scatter(ntloc, [tv], one)
      return c
    lax.fori_loop(0, _NCH, key_build, 0)
    pltpu.sync_copy(ntloc, ntsh.at[pl.ds(sid * _N_CLS, _N_CLS)])

    for cp in zcopies:
      cp.wait()
    plsc.subcore_barrier()

    scopies = [
        pltpu.async_copy(oneb, hsh.at[kbuf.at[j]], sems, add=True)
        for j in range(_NCH)
    ]
    for cp in scopies:
      cp.wait()
    plsc.subcore_barrier()

    pltpu.sync_copy(hsh.at[pl.ds(wid * _KW, _KW)], hblk)
    pltpu.sync_copy(ntsh, ntv)

    def row(r, c):
      rbase = r * _NT

      def np_sum(v, acc):
        s = acc
        for k in range(8):
          s = s + hblk[pl.ds(rbase + v * (8 * _L) + k * _L, _L)]
        return s
      np_lanes = lax.fori_loop(0, _NT // (8 * _L), np_sum, zer)
      np_v = jnp.full((_L,), jnp.sum(np_lanes))

      def acc_b(b, accs):
        hb = rbase + b * _N_CLS
        nb = b * _N_CLS
        out = []
        for j in range(_N_CLS // _L):
          h = hblk[pl.ds(hb + j * _L, _L)]
          nt = ntv[pl.ds(nb + j * _L, _L)]
          iou = jnp.where(h > 0.0, h / ((np_v + nt) - h), 0.0)
          out.append(accs[j] + iou)
        return tuple(out)

      accs = lax.fori_loop(0, _B, acc_b, tuple(zer for _ in range(_N_CLS // _L)))
      for j in range(_N_CLS // _L):
        outv[r, pl.ds(j * _L, _L)] = accs[j]
      return c
    lax.fori_loop(0, _PPW, row, 0)

    pltpu.sync_copy(outv, out_hbm.at[pl.ds(lo, _PPW)])

  return run(pred, targ)


def _tc_finish(m, targets):
  def body(m_ref, t_ref, o_ref):
    prod = jnp.dot(m_ref[...], t_ref[...], preferred_element_type=jnp.float32)
    den = prod.sum(axis=-1, keepdims=True)
    o_ref[...] = prod / den

  return pl.pallas_call(
      body,
      out_shape=jax.ShapeDtypeStruct((_N_PRED, _N_CLS), jnp.float32),
  )(m, targets)


def kernel(predseg, targetseg, targets):
  m = _sc_hist_iou(predseg.astype(jnp.int32), targetseg.astype(jnp.int32))
  return _tc_finish(m, targets.astype(jnp.float32))

# --- scband reference (transcript-rebuilt; emitter-appended) ---
"""Pipeline reference for scband-masked-targets-50629074485706 (READ-ONLY COPY).

The authoritative reference and input builder live on the scoring server;
editing this copy changes nothing except your own understanding.
"""

import jax, jax.numpy as jnp
import numpy as np

N_CLASSES = 128
N_PRED_SEGS = 512


def uidxcnt(arr):
    perm = jnp.argsort(arr)
    aux = arr[perm]
    mask = jnp.concatenate([jnp.array([True]), aux[1:] != aux[:-1]])
    seg_id = jnp.cumsum(mask) - 1
    size = arr.shape[0]
    uidx = jnp.zeros(size, dtype=perm.dtype).at[jnp.where(mask, seg_id, size)].set(perm, mode='drop')
    cnt = jnp.zeros(size, dtype=jnp.int32).at[seg_id].add(1)
    return uidx, cnt


def compute_overlap(predseg, targetseg, maxseg):
    b_idx = jnp.repeat(jnp.arange(predseg.shape[0]), predseg.shape[1])
    pred = predseg.reshape(-1)
    target = b_idx * maxseg + targetseg.reshape(-1)
    ar = jnp.stack([pred, target], 0)
    m = ar.max() + 1
    r, c = ar[0], ar[1]
    cons = r * m + c
    uidx_cons, n_overlap = uidxcnt(cons)
    cnt_pred = jnp.zeros(N_PRED_SEGS, dtype=jnp.int32).at[pred].add(1)
    cnt_target = jnp.zeros(predseg.shape[0] * maxseg, dtype=jnp.int32).at[target].add(1)
    n_pred = cnt_pred[pred[uidx_cons]]
    n_target = cnt_target[target[uidx_cons]]
    ious = n_overlap / (n_pred + n_target - n_overlap)
    predidx = pred[uidx_cons]
    targetidx = target[uidx_cons] % maxseg
    return predidx, targetidx, ious


def setup_inputs(seed: int = 0):
    key = jax.random.key(seed)
    k1, k2 = jax.random.split(key)
    predseg = jax.random.randint(k1, (16, 4096), 0, N_PRED_SEGS)
    # force the max pred id to be present so output shape is deterministic
    predseg = predseg.at[-1, -1].set(N_PRED_SEGS - 1)
    targetseg = jax.random.randint(k2, (16, 4096), 0, N_CLASSES)
    targets = jnp.eye(N_CLASSES, dtype=jnp.float32)
    return {"predseg": predseg, "targetseg": targetseg, "targets": targets}


def reference(predseg, targetseg, targets):
    n_classes = targets.shape[0]
    pidx, tidx, iou = compute_overlap(predseg, targetseg, n_classes)
    n = N_PRED_SEGS
    out = jnp.zeros((n, n_classes), dtype=targets.dtype).at[pidx].add(iou[:, None] * targets[tidx])
    den = out.sum(-1, keepdims=True)
    return out / den

if __name__ == "__main__":
    import jax
    _d = setup_inputs()
    print(jax.jit(kernel)(*tuple(_d.values())))

</pallas_src>

<mosaic_0001>
#map = affine_map<(d0, d1) -> (0, 0)>
module attributes {stable_mosaic.version = 14 : i64} {
  func.func @run(%arg0: i32, %arg1: i32, %arg2: memref<16x4096xi32, #tpu.memory_space<hbm>>, %arg3: memref<16x4096xi32, #tpu.memory_space<hbm>>, %arg4: memref<512x128xf32, #tpu.memory_space<hbm>>, %arg5: memref<4096xi32, #tpu.memory_space<vmem>>, %arg6: memref<4096xi32, #tpu.memory_space<vmem>>, %arg7: memref<32x128xi32, #tpu.memory_space<vmem>>, %arg8: memref<32768xf32, #tpu.memory_space<vmem>>, %arg9: memref<2048xf32, #tpu.memory_space<vmem>>, %arg10: memref<128xf32, #tpu.memory_space<vmem>>, %arg11: memref<16x128xf32, #tpu.memory_space<vmem>>, %arg12: memref<4096xf32, #tpu.memory_space<vmem>>, %arg13: memref<128xf32, #tpu.memory_space<vmem>>, %arg14: memref<1048576xf32, #tpu.memory_space<vmem_shared>>, %arg15: memref<2048xf32, #tpu.memory_space<vmem_shared>>, %arg16: memref<!tpu.dma_semaphore, #tpu.memory_space<semaphore_mem>>, %arg17: memref<!tpu.dma_semaphore, #tpu.memory_space<semaphore_mem>>, %arg18: memref<!tpu.dma_semaphore, #tpu.memory_space<semaphore_mem>>) attributes {dimension_semantics = [#tpu.dimension_semantics<core_parallel>, #tpu.dimension_semantics<subcore_parallel>], iteration_bounds = array<i64: 2, 16>, scalar_prefetch = 0 : i64, scratch_operands = 14 : i64, tpu.core_type = #tpu.core_type<sc_vector_subcore>, window_params = [{transform_indices = #map}, {transform_indices = #map}, {transform_indices = #map}]} {
    %mul3A = arith.constant 2 : i32
    %mul3A_0 = arith.muli %arg1, %mul3A : i32
    %add3A = arith.addi %mul3A_0, %arg0 : i32
    %mul3A_1 = arith.constant 16 : i32
    %mul3A_2 = arith.muli %add3A, %mul3A_1 : i32
    %broadcast_in_dim3A = arith.constant 0.000000e+00 : f32
    %broadcast_in_dim3A_3 = vector.broadcast %broadcast_in_dim3A : f32 to vector<16xf32>
    %broadcast_in_dim3A_4 = arith.constant 1.000000e+00 : f32
    %broadcast_in_dim3A_5 = vector.broadcast %broadcast_in_dim3A_4 : f32 to vector<16xf32>
    %dma_start3A = arith.constant 0 : i32
    %dma_start3A_6 = tpu.memref_slice %arg2[%arg1, %dma_start3A] : memref<16x4096xi32, #tpu.memory_space<hbm>> -> memref<1x4096xi32, #tpu.memory_space<hbm>>
    %dma_start3A_7 = tpu.memref_squeeze %dma_start3A_6 : memref<1x4096xi32, #tpu.memory_space<hbm>> -> memref<4096xi32, #tpu.memory_space<hbm>>
    %dma_start3A_8 = arith.constant 0 : i32
    %dma_start3A_9 = tpu.memref_slice %arg2[%arg1, %dma_start3A_8] : memref<16x4096xi32, #tpu.memory_space<hbm>> -> memref<1x4096xi32, #tpu.memory_space<hbm>>
    %dma_start3A_10 = tpu.memref_squeeze %dma_start3A_9 : memref<1x4096xi32, #tpu.memory_space<hbm>> -> memref<4096xi32, #tpu.memory_space<hbm>>
    tpu.enqueue_dma source(%dma_start3A_10 : memref<4096xi32, #tpu.memory_space<hbm>>) target(%arg5 : memref<4096xi32, #tpu.memory_space<vmem>>) target_semaphore(%arg16 : memref<!tpu.dma_semaphore, #tpu.memory_space<semaphore_mem>>)
    %dma_start3A_11 = arith.constant 0 : i32
    %dma_start3A_12 = tpu.memref_slice %arg3[%arg1, %dma_start3A_11] : memref<16x4096xi32, #tpu.memory_space<hbm>> -> memref<1x4096xi32, #tpu.memory_space<hbm>>
    %dma_start3A_13 = tpu.memref_squeeze %dma_start3A_12 : memref<1x4096xi32, #tpu.memory_space<hbm>> -> memref<4096xi32, #tpu.memory_space<hbm>>
    %dma_start3A_14 = arith.constant 0 : i32
    %dma_start3A_15 = tpu.memref_slice %arg3[%arg1, %dma_start3A_14] : memref<16x4096xi32, #tpu.memory_space<hbm>> -> memref<1x4096xi32, #tpu.memory_space<hbm>>
    %dma_start3A_16 = tpu.memref_squeeze %dma_start3A_15 : memref<1x4096xi32, #tpu.memory_space<hbm>> -> memref<4096xi32, #tpu.memory_space<hbm>>
    tpu.enqueue_dma source(%dma_start3A_16 : memref<4096xi32, #tpu.memory_space<hbm>>) target(%arg6 : memref<4096xi32, #tpu.memory_space<vmem>>) target_semaphore(%arg16 : memref<!tpu.dma_semaphore, #tpu.memory_space<semaphore_mem>>)
    %scan3A = arith.constant 0 : i32
    %scan3A_17 = arith.constant 0 : i32
    %scan3A_18 = arith.constant 32 : i32
    %scan3A_19 = arith.addi %scan3A_17, %scan3A_18 : i32
    %scan3A_20 = arith.constant 1 : i32
    scf.for %scan3A_595 = %scan3A_17 to %scan3A_19 step %scan3A_20  : i32 {
      %mul3A_596 = arith.constant 128 : i32
      %mul3A_597 = arith.muli %scan3A_595, %mul3A_596 : i32
      %add3A_598 = arith.constant 0 : i32
      %add3A_599 = arith.addi %mul3A_597, %add3A_598 : i32
      %swap3A_600 = arith.index_cast %add3A_599 : i32 to index
      %swap3A_601 = tpu.vector_load %arg12[%swap3A_600] {strides = array<i32>} : memref<4096xf32, #tpu.memory_space<vmem>>, vector<16xf32>,
      tpu.vector_store %arg12[%swap3A_600], %broadcast_in_dim3A_3 {strides = array<i32>} : memref<4096xf32, #tpu.memory_space<vmem>>, vector<16xf32>,
      %mul3A_602 = arith.constant 128 : i32
      %mul3A_603 = arith.muli %scan3A_595, %mul3A_602 : i32
      %add3A_604 = arith.constant 16 : i32
      %add3A_605 = arith.addi %mul3A_603, %add3A_604 : i32
      %swap3A_606 = arith.index_cast %add3A_605 : i32 to index
      %swap3A_607 = tpu.vector_load %arg12[%swap3A_606] {strides = array<i32>} : memref<4096xf32, #tpu.memory_space<vmem>>, vector<16xf32>,
      tpu.vector_store %arg12[%swap3A_606], %broadcast_in_dim3A_3 {strides = array<i32>} : memref<4096xf32, #tpu.memory_space<vmem>>, vector<16xf32>,
      %mul3A_608 = arith.constant 128 : i32
      %mul3A_609 = arith.muli %scan3A_595, %mul3A_608 : i32
      %add3A_610 = arith.constant 32 : i32
      %add3A_611 = arith.addi %mul3A_609, %add3A_610 : i32
      %swap3A_612 = arith.index_cast %add3A_611 : i32 to index
      %swap3A_613 = tpu.vector_load %arg12[%swap3A_612] {strides = array<i32>} : memref<4096xf32, #tpu.memory_space<vmem>>, vector<16xf32>,
      tpu.vector_store %arg12[%swap3A_612], %broadcast_in_dim3A_3 {strides = array<i32>} : memref<4096xf32, #tpu.memory_space<vmem>>, vector<16xf32>,
      %mul3A_614 = arith.constant 128 : i32
      %mul3A_615 = arith.muli %scan3A_595, %mul3A_614 : i32
      %add3A_616 = arith.constant 48 : i32
      %add3A_617 = arith.addi %mul3A_615, %add3A_616 : i32
      %swap3A_618 = arith.index_cast %add3A_617 : i32 to index
      %swap3A_619 = tpu.vector_load %arg12[%swap3A_618] {strides = array<i32>} : memref<4096xf32, #tpu.memory_space<vmem>>, vector<16xf32>,
      tpu.vector_store %arg12[%swap3A_618], %broadcast_in_dim3A_3 {strides = array<i32>} : memref<4096xf32, #tpu.memory_space<vmem>>, vector<16xf32>,
      %mul3A_620 = arith.constant 128 : i32
      %mul3A_621 = arith.muli %scan3A_595, %mul3A_620 : i32
      %add3A_622 = arith.constant 64 : i32
      %add3A_623 = arith.addi %mul3A_621, %add3A_622 : i32
      %swap3A_624 = arith.index_cast %add3A_623 : i32 to index
      %swap3A_625 = tpu.vector_load %arg12[%swap3A_624] {strides = array<i32>} : memref<4096xf32, #tpu.memory_space<vmem>>, vector<16xf32>,
      tpu.vector_store %arg12[%swap3A_624], %broadcast_in_dim3A_3 {strides = array<i32>} : memref<4096xf32, #tpu.memory_space<vmem>>, vector<16xf32>,
      %mul3A_626 = arith.constant 128 : i32
      %mul3A_627 = arith.muli %scan3A_595, %mul3A_626 : i32
      %add3A_628 = arith.constant 80 : i32
      %add3A_629 = arith.addi %mul3A_627, %add3A_628 : i32
      %swap3A_630 = arith.index_cast %add3A_629 : i32 to index
      %swap3A_631 = tpu.vector_load %arg12[%swap3A_630] {strides = array<i32>} : memref<4096xf32, #tpu.memory_space<vmem>>, vector<16xf32>,
      tpu.vector_store %arg12[%swap3A_630], %broadcast_in_dim3A_3 {strides = array<i32>} : memref<4096xf32, #tpu.memory_space<vmem>>, vector<16xf32>,
      %mul3A_632 = arith.constant 128 : i32
      %mul3A_633 = arith.muli %scan3A_595, %mul3A_632 : i32
      %add3A_634 = arith.constant 96 : i32
      %add3A_635 = arith.addi %mul3A_633, %add3A_634 : i32
      %swap3A_636 = arith.index_cast %add3A_635 : i32 to index
      %swap3A_637 = tpu.vector_load %arg12[%swap3A_636] {strides = array<i32>} : memref<4096xf32, #tpu.memory_space<vmem>>, vector<16xf32>,
      tpu.vector_store %arg12[%swap3A_636], %broadcast_in_dim3A_3 {strides = array<i32>} : memref<4096xf32, #tpu.memory_space<vmem>>, vector<16xf32>,
      %mul3A_638 = arith.constant 128 : i32
      %mul3A_639 = arith.muli %scan3A_595, %mul3A_638 : i32
      %add3A_640 = arith.constant 112 : i32
      %add3A_641 = arith.addi %mul3A_639, %add3A_640 : i32
      %swap3A_642 = arith.index_cast %add3A_641 : i32 to index
      %swap3A_643 = tpu.vector_load %arg12[%swap3A_642] {strides = array<i32>} : memref<4096xf32, #tpu.memory_space<vmem>>, vector<16xf32>,
      tpu.vector_store %arg12[%swap3A_642], %broadcast_in_dim3A_3 {strides = array<i32>} : memref<4096xf32, #tpu.memory_space<vmem>>, vector<16xf32>,
    }
    %scan3A_21 = arith.constant 32 : i32
    %swap3A = arith.constant 0 : index
    %swap3A_22 = tpu.vector_load %arg10[%swap3A] {strides = array<i32>} : memref<128xf32, #tpu.memory_space<vmem>>, vector<16xf32>,
    tpu.vector_store %arg10[%swap3A], %broadcast_in_dim3A_3 {strides = array<i32>} : memref<128xf32, #tpu.memory_space<vmem>>, vector<16xf32>,
    %swap3A_23 = arith.constant 0 : index
    %swap3A_24 = tpu.vector_load %arg13[%swap3A_23] {strides = array<i32>} : memref<128xf32, #tpu.memory_space<vmem>>, vector<16xf32>,
    tpu.vector_store %arg13[%swap3A_23], %broadcast_in_dim3A_5 {strides = array<i32>} : memref<128xf32, #tpu.memory_space<vmem>>, vector<16xf32>,
    %swap3A_25 = arith.constant 16 : index
    %swap3A_26 = tpu.vector_load %arg10[%swap3A_25] {strides = array<i32>} : memref<128xf32, #tpu.memory_space<vmem>>, vector<16xf32>,
    tpu.vector_store %arg10[%swap3A_25], %broadcast_in_dim3A_3 {strides = array<i32>} : memref<128xf32, #tpu.memory_space<vmem>>, vector<16xf32>,
    %swap3A_27 = arith.constant 16 : index
    %swap3A_28 = tpu.vector_load %arg13[%swap3A_27] {strides = array<i32>} : memref<128xf32, #tpu.memory_space<vmem>>, vector<16xf32>,
    tpu.vector_store %arg13[%swap3A_27], %broadcast_in_dim3A_5 {strides = array<i32>} : memref<128xf32, #tpu.memory_space<vmem>>, vector<16xf32>,
    %swap3A_29 = arith.constant 32 : index
    %swap3A_30 = tpu.vector_load %arg10[%swap3A_29] {strides = array<i32>} : memref<128xf32, #tpu.memory_space<vmem>>, vector<16xf32>,
    tpu.vector_store %arg10[%swap3A_29], %broadcast_in_dim3A_3 {strides = array<i32>} : memref<128xf32, #tpu.memory_space<vmem>>, vector<16xf32>,
    %swap3A_31 = arith.constant 32 : index
    %swap3A_32 = tpu.vector_load %arg13[%swap3A_31] {strides = array<i32>} : memref<128xf32, #tpu.memory_space<vmem>>, vector<16xf32>,
    tpu.vector_store %arg13[%swap3A_31], %broadcast_in_dim3A_5 {strides = array<i32>} : memref<128xf32, #tpu.memory_space<vmem>>, vector<16xf32>,
    %swap3A_33 = arith.constant 48 : index
    %swap3A_34 = tpu.vector_load %arg10[%swap3A_33] {strides = array<i32>} : memref<128xf32, #tpu.memory_space<vmem>>, vector<16xf32>,
    tpu.vector_store %arg10[%swap3A_33], %broadcast_in_dim3A_3 {strides = array<i32>} : memref<128xf32, #tpu.memory_space<vmem>>, vector<16xf32>,
    %swap3A_35 = arith.constant 48 : index
    %swap3A_36 = tpu.vector_load %arg13[%swap3A_35] {strides = array<i32>} : memref<128xf32, #tpu.memory_space<vmem>>, vector<16xf32>,
    tpu.vector_store %arg13[%swap3A_35], %broadcast_in_dim3A_5 {strides = array<i32>} : memref<128xf32, #tpu.memory_space<vmem>>, vector<16xf32>,
    %swap3A_37 = arith.constant 64 : index
    %swap3A_38 = tpu.vector_load %arg10[%swap3A_37] {strides = array<i32>} : memref<128xf32, #tpu.memory_space<vmem>>, vector<16xf32>,
    tpu.vector_store %arg10[%swap3A_37], %broadcast_in_dim3A_3 {strides = array<i32>} : memref<128xf32, #tpu.memory_space<vmem>>, vector<16xf32>,
    %swap3A_39 = arith.constant 64 : index
    %swap3A_40 = tpu.vector_load %arg13[%swap3A_39] {strides = array<i32>} : memref<128xf32, #tpu.memory_space<vmem>>, vector<16xf32>,
    tpu.vector_store %arg13[%swap3A_39], %broadcast_in_dim3A_5 {strides = array<i32>} : memref<128xf32, #tpu.memory_space<vmem>>, vector<16xf32>,
    %swap3A_41 = arith.constant 80 : index
    %swap3A_42 = tpu.vector_load %arg10[%swap3A_41] {strides = array<i32>} : memref<128xf32, #tpu.memory_space<vmem>>, vector<16xf32>,
    tpu.vector_store %arg10[%swap3A_41], %broadcast_in_dim3A_3 {strides = array<i32>} : memref<128xf32, #tpu.memory_space<vmem>>, vector<16xf32>,
    %swap3A_43 = arith.constant 80 : index
    %swap3A_44 = tpu.vector_load %arg13[%swap3A_43] {strides = array<i32>} : memref<128xf32, #tpu.memory_space<vmem>>, vector<16xf32>,
    tpu.vector_store %arg13[%swap3A_43], %broadcast_in_dim3A_5 {strides = array<i32>} : memref<128xf32, #tpu.memory_space<vmem>>, vector<16xf32>,
    %swap3A_45 = arith.constant 96 : index
    %swap3A_46 = tpu.vector_load %arg10[%swap3A_45] {strides = array<i32>} : memref<128xf32, #tpu.memory_space<vmem>>, vector<16xf32>,
    tpu.vector_store %arg10[%swap3A_45], %broadcast_in_dim3A_3 {strides = array<i32>} : memref<128xf32, #tpu.memory_space<vmem>>, vector<16xf32>,
    %swap3A_47 = arith.constant 96 : index
    %swap3A_48 = tpu.vector_load %arg13[%swap3A_47] {strides = array<i32>} : memref<128xf32, #tpu.memory_space<vmem>>, vector<16xf32>,
    tpu.vector_store %arg13[%swap3A_47], %broadcast_in_dim3A_5 {strides = array<i32>} : memref<128xf32, #tpu.memory_space<vmem>>, vector<16xf32>,
    %swap3A_49 = arith.constant 112 : index
    %swap3A_50 = tpu.vector_load %arg10[%swap3A_49] {strides = array<i32>} : memref<128xf32, #tpu.memory_space<vmem>>, vector<16xf32>,
    tpu.vector_store %arg10[%swap3A_49], %broadcast_in_dim3A_3 {strides = array<i32>} : memref<128xf32, #tpu.memory_space<vmem>>, vector<16xf32>,
    %swap3A_51 = arith.constant 112 : index
    %swap3A_52 = tpu.vector_load %arg13[%swap3A_51] {strides = array<i32>} : memref<128xf32, #tpu.memory_space<vmem>>, vector<16xf32>,
    tpu.vector_store %arg13[%swap3A_51], %broadcast_in_dim3A_5 {strides = array<i32>} : memref<128xf32, #tpu.memory_space<vmem>>, vector<16xf32>,
    %mul3A_53 = arith.constant 65536 : i32
    %mul3A_54 = arith.muli %arg1, %mul3A_53 : i32
    %add3A_55 = arith.constant 0 : i32
    %add3A_56 = arith.addi %mul3A_54, %add3A_55 : i32
    %dma_start3A_57 = tpu.memref_slice %arg14[%add3A_56] : memref<1048576xf32, #tpu.memory_space<vmem_shared>> -> memref<4096xf32, #tpu.memory_space<vmem_shared>>
    %dma_start3A_58 = tpu.memref_slice %arg14[%add3A_56] : memref<1048576xf32, #tpu.memory_space<vmem_shared>> -> memref<4096xf32, #tpu.memory_space<vmem_shared>>
    tpu.enqueue_dma source(%arg12 : memref<4096xf32, #tpu.memory_space<vmem>>) target(%dma_start3A_58 : memref<4096xf32, #tpu.memory_space<vmem_shared>>) target_semaphore(%arg17 : memref<!tpu.dma_semaphore, #tpu.memory_space<semaphore_mem>>)
    %mul3A_59 = arith.constant 65536 : i32
    %mul3A_60 = arith.muli %arg1, %mul3A_59 : i32
    %add3A_61 = arith.constant 4096 : i32
    %add3A_62 = arith.addi %mul3A_60, %add3A_61 : i32
    %dma_start3A_63 = tpu.memref_slice %arg14[%add3A_62] : memref<1048576xf32, #tpu.memory_space<vmem_shared>> -> memref<4096xf32, #tpu.memory_space<vmem_shared>>
    %dma_start3A_64 = tpu.memref_slice %arg14[%add3A_62] : memref<1048576xf32, #tpu.memory_space<vmem_shared>> -> memref<4096xf32, #tpu.memory_space<vmem_shared>>
    tpu.enqueue_dma source(%arg12 : memref<4096xf32, #tpu.memory_space<vmem>>) target(%dma_start3A_64 : memref<4096xf32, #tpu.memory_space<vmem_shared>>) target_semaphore(%arg17 : memref<!tpu.dma_semaphore, #tpu.memory_space<semaphore_mem>>)
    %mul3A_65 = arith.constant 65536 : i32
    %mul3A_66 = arith.muli %arg1, %mul3A_65 : i32
    %add3A_67 = arith.constant 8192 : i32
    %add3A_68 = arith.addi %mul3A_66, %add3A_67 : i32
    %dma_start3A_69 = tpu.memref_slice %arg14[%add3A_68] : memref<1048576xf32, #tpu.memory_space<vmem_shared>> -> memref<4096xf32, #tpu.memory_space<vmem_shared>>
    %dma_start3A_70 = tpu.memref_slice %arg14[%add3A_68] : memref<1048576xf32, #tpu.memory_space<vmem_shared>> -> memref<4096xf32, #tpu.memory_space<vmem_shared>>
    tpu.enqueue_dma source(%arg12 : memref<4096xf32, #tpu.memory_space<vmem>>) target(%dma_start3A_70 : memref<4096xf32, #tpu.memory_space<vmem_shared>>) target_semaphore(%arg17 : memref<!tpu.dma_semaphore, #tpu.memory_space<semaphore_mem>>)
    %mul3A_71 = arith.constant 65536 : i32
    %mul3A_72 = arith.muli %arg1, %mul3A_71 : i32
    %add3A_73 = arith.constant 12288 : i32
    %add3A_74 = arith.addi %mul3A_72, %add3A_73 : i32
    %dma_start3A_75 = tpu.memref_slice %arg14[%add3A_74] : memref<1048576xf32, #tpu.memory_space<vmem_shared>> -> memref<4096xf32, #tpu.memory_space<vmem_shared>>
    %dma_start3A_76 = tpu.memref_slice %arg14[%add3A_74] : memref<1048576xf32, #tpu.memory_space<vmem_shared>> -> memref<4096xf32, #tpu.memory_space<vmem_shared>>
    tpu.enqueue_dma source(%arg12 : memref<4096xf32, #tpu.memory_space<vmem>>) target(%dma_start3A_76 : memref<4096xf32, #tpu.memory_space<vmem_shared>>) target_semaphore(%arg17 : memref<!tpu.dma_semaphore, #tpu.memory_space<semaphore_mem>>)
    %mul3A_77 = arith.constant 65536 : i32
    %mul3A_78 = arith.muli %arg1, %mul3A_77 : i32
    %add3A_79 = arith.constant 16384 : i32
    %add3A_80 = arith.addi %mul3A_78, %add3A_79 : i32
    %dma_start3A_81 = tpu.memref_slice %arg14[%add3A_80] : memref<1048576xf32, #tpu.memory_space<vmem_shared>> -> memref<4096xf32, #tpu.memory_space<vmem_shared>>
    %dma_start3A_82 = tpu.memref_slice %arg14[%add3A_80] : memref<1048576xf32, #tpu.memory_space<vmem_shared>> -> memref<4096xf32, #tpu.memory_space<vmem_shared>>
    tpu.enqueue_dma source(%arg12 : memref<4096xf32, #tpu.memory_space<vmem>>) target(%dma_start3A_82 : memref<4096xf32, #tpu.memory_space<vmem_shared>>) target_semaphore(%arg17 : memref<!tpu.dma_semaphore, #tpu.memory_space<semaphore_mem>>)
    %mul3A_83 = arith.constant 65536 : i32
    %mul3A_84 = arith.muli %arg1, %mul3A_83 : i32
    %add3A_85 = arith.constant 20480 : i32
    %add3A_86 = arith.addi %mul3A_84, %add3A_85 : i32
    %dma_start3A_87 = tpu.memref_slice %arg14[%add3A_86] : memref<1048576xf32, #tpu.memory_space<vmem_shared>> -> memref<4096xf32, #tpu.memory_space<vmem_shared>>
    %dma_start3A_88 = tpu.memref_slice %arg14[%add3A_86] : memref<1048576xf32, #tpu.memory_space<vmem_shared>> -> memref<4096xf32, #tpu.memory_space<vmem_shared>>
    tpu.enqueue_dma source(%arg12 : memref<4096xf32, #tpu.memory_space<vmem>>) target(%dma_start3A_88 : memref<4096xf32, #tpu.memory_space<vmem_shared>>) target_semaphore(%arg17 : memref<!tpu.dma_semaphore, #tpu.memory_space<semaphore_mem>>)
    %mul3A_89 = arith.constant 65536 : i32
    %mul3A_90 = arith.muli %arg1, %mul3A_89 : i32
    %add3A_91 = arith.constant 24576 : i32
    %add3A_92 = arith.addi %mul3A_90, %add3A_91 : i32
    %dma_start3A_93 = tpu.memref_slice %arg14[%add3A_92] : memref<1048576xf32, #tpu.memory_space<vmem_shared>> -> memref<4096xf32, #tpu.memory_space<vmem_shared>>
    %dma_start3A_94 = tpu.memref_slice %arg14[%add3A_92] : memref<1048576xf32, #tpu.memory_space<vmem_shared>> -> memref<4096xf32, #tpu.memory_space<vmem_shared>>
    tpu.enqueue_dma source(%arg12 : memref<4096xf32, #tpu.memory_space<vmem>>) target(%dma_start3A_94 : memref<4096xf32, #tpu.memory_space<vmem_shared>>) target_semaphore(%arg17 : memref<!tpu.dma_semaphore, #tpu.memory_space<semaphore_mem>>)
    %mul3A_95 = arith.constant 65536 : i32
    %mul3A_96 = arith.muli %arg1, %mul3A_95 : i32
    %add3A_97 = arith.constant 28672 : i32
    %add3A_98 = arith.addi %mul3A_96, %add3A_97 : i32
    %dma_start3A_99 = tpu.memref_slice %arg14[%add3A_98] : memref<1048576xf32, #tpu.memory_space<vmem_shared>> -> memref<4096xf32, #tpu.memory_space<vmem_shared>>
    %dma_start3A_100 = tpu.memref_slice %arg14[%add3A_98] : memref<1048576xf32, #tpu.memory_space<vmem_shared>> -> memref<4096xf32, #tpu.memory_space<vmem_shared>>
    tpu.enqueue_dma source(%arg12 : memref<4096xf32, #tpu.memory_space<vmem>>) target(%dma_start3A_100 : memref<4096xf32, #tpu.memory_space<vmem_shared>>) target_semaphore(%arg17 : memref<!tpu.dma_semaphore, #tpu.memory_space<semaphore_mem>>)
    %mul3A_101 = arith.constant 65536 : i32
    %mul3A_102 = arith.muli %arg1, %mul3A_101 : i32
    %add3A_103 = arith.constant 32768 : i32
    %add3A_104 = arith.addi %mul3A_102, %add3A_103 : i32
    %dma_start3A_105 = tpu.memref_slice %arg14[%add3A_104] : memref<1048576xf32, #tpu.memory_space<vmem_shared>> -> memref<4096xf32, #tpu.memory_space<vmem_shared>>
    %dma_start3A_106 = tpu.memref_slice %arg14[%add3A_104] : memref<1048576xf32, #tpu.memory_space<vmem_shared>> -> memref<4096xf32, #tpu.memory_space<vmem_shared>>
    tpu.enqueue_dma source(%arg12 : memref<4096xf32, #tpu.memory_space<vmem>>) target(%dma_start3A_106 : memref<4096xf32, #tpu.memory_space<vmem_shared>>) target_semaphore(%arg17 : memref<!tpu.dma_semaphore, #tpu.memory_space<semaphore_mem>>)
    %mul3A_107 = arith.constant 65536 : i32
    %mul3A_108 = arith.muli %arg1, %mul3A_107 : i32
    %add3A_109 = arith.constant 36864 : i32
    %add3A_110 = arith.addi %mul3A_108, %add3A_109 : i32
    %dma_start3A_111 = tpu.memref_slice %arg14[%add3A_110] : memref<1048576xf32, #tpu.memory_space<vmem_shared>> -> memref<4096xf32, #tpu.memory_space<vmem_shared>>
    %dma_start3A_112 = tpu.memref_slice %arg14[%add3A_110] : memref<1048576xf32, #tpu.memory_space<vmem_shared>> -> memref<4096xf32, #tpu.memory_space<vmem_shared>>
    tpu.enqueue_dma source(%arg12 : memref<4096xf32, #tpu.memory_space<vmem>>) target(%dma_start3A_112 : memref<4096xf32, #tpu.memory_space<vmem_shared>>) target_semaphore(%arg17 : memref<!tpu.dma_semaphore, #tpu.memory_space<semaphore_mem>>)
    %mul3A_113 = arith.constant 65536 : i32
    %mul3A_114 = arith.muli %arg1, %mul3A_113 : i32
    %add3A_115 = arith.constant 40960 : i32
    %add3A_116 = arith.addi %mul3A_114, %add3A_115 : i32
    %dma_start3A_117 = tpu.memref_slice %arg14[%add3A_116] : memref<1048576xf32, #tpu.memory_space<vmem_shared>> -> memref<4096xf32, #tpu.memory_space<vmem_shared>>
    %dma_start3A_118 = tpu.memref_slice %arg14[%add3A_116] : memref<1048576xf32, #tpu.memory_space<vmem_shared>> -> memref<4096xf32, #tpu.memory_space<vmem_shared>>
    tpu.enqueue_dma source(%arg12 : memref<4096xf32, #tpu.memory_space<vmem>>) target(%dma_start3A_118 : memref<4096xf32, #tpu.memory_space<vmem_shared>>) target_semaphore(%arg17 : memref<!tpu.dma_semaphore, #tpu.memory_space<semaphore_mem>>)
    %mul3A_119 = arith.constant 65536 : i32
    %mul3A_120 = arith.muli %arg1, %mul3A_119 : i32
    %add3A_121 = arith.constant 45056 : i32
    %add3A_122 = arith.addi %mul3A_120, %add3A_121 : i32
    %dma_start3A_123 = tpu.memref_slice %arg14[%add3A_122] : memref<1048576xf32, #tpu.memory_space<vmem_shared>> -> memref<4096xf32, #tpu.memory_space<vmem_shared>>
    %dma_start3A_124 = tpu.memref_slice %arg14[%add3A_122] : memref<1048576xf32, #tpu.memory_space<vmem_shared>> -> memref<4096xf32, #tpu.memory_space<vmem_shared>>
    tpu.enqueue_dma source(%arg12 : memref<4096xf32, #tpu.memory_space<vmem>>) target(%dma_start3A_124 : memref<4096xf32, #tpu.memory_space<vmem_shared>>) target_semaphore(%arg17 : memref<!tpu.dma_semaphore, #tpu.memory_space<semaphore_mem>>)
    %mul3A_125 = arith.constant 65536 : i32
    %mul3A_126 = arith.muli %arg1, %mul3A_125 : i32
    %add3A_127 = arith.constant 49152 : i32
    %add3A_128 = arith.addi %mul3A_126, %add3A_127 : i32
    %dma_start3A_129 = tpu.memref_slice %arg14[%add3A_128] : memref<1048576xf32, #tpu.memory_space<vmem_shared>> -> memref<4096xf32, #tpu.memory_space<vmem_shared>>
    %dma_start3A_130 = tpu.memref_slice %arg14[%add3A_128] : memref<1048576xf32, #tpu.memory_space<vmem_shared>> -> memref<4096xf32, #tpu.memory_space<vmem_shared>>
    tpu.enqueue_dma source(%arg12 : memref<4096xf32, #tpu.memory_space<vmem>>) target(%dma_start3A_130 : memref<4096xf32, #tpu.memory_space<vmem_shared>>) target_semaphore(%arg17 : memref<!tpu.dma_semaphore, #tpu.memory_space<semaphore_mem>>)
    %mul3A_131 = arith.constant 65536 : i32
    %mul3A_132 = arith.muli %arg1, %mul3A_131 : i32
    %add3A_133 = arith.constant 53248 : i32
    %add3A_134 = arith.addi %mul3A_132, %add3A_133 : i32
    %dma_start3A_135 = tpu.memref_slice %arg14[%add3A_134] : memref<1048576xf32, #tpu.memory_space<vmem_shared>> -> memref<4096xf32, #tpu.memory_space<vmem_shared>>
    %dma_start3A_136 = tpu.memref_slice %arg14[%add3A_134] : memref<1048576xf32, #tpu.memory_space<vmem_shared>> -> memref<4096xf32, #tpu.memory_space<vmem_shared>>
    tpu.enqueue_dma source(%arg12 : memref<4096xf32, #tpu.memory_space<vmem>>) target(%dma_start3A_136 : memref<4096xf32, #tpu.memory_space<vmem_shared>>) target_semaphore(%arg17 : memref<!tpu.dma_semaphore, #tpu.memory_space<semaphore_mem>>)
    %mul3A_137 = arith.constant 65536 : i32
    %mul3A_138 = arith.muli %arg1, %mul3A_137 : i32
    %add3A_139 = arith.constant 57344 : i32
    %add3A_140 = arith.addi %mul3A_138, %add3A_139 : i32
    %dma_start3A_141 = tpu.memref_slice %arg14[%add3A_140] : memref<1048576xf32, #tpu.memory_space<vmem_shared>> -> memref<4096xf32, #tpu.memory_space<vmem_shared>>
    %dma_start3A_142 = tpu.memref_slice %arg14[%add3A_140] : memref<1048576xf32, #tpu.memory_space<vmem_shared>> -> memref<4096xf32, #tpu.memory_space<vmem_shared>>
    tpu.enqueue_dma source(%arg12 : memref<4096xf32, #tpu.memory_space<vmem>>) target(%dma_start3A_142 : memref<4096xf32, #tpu.memory_space<vmem_shared>>) target_semaphore(%arg17 : memref<!tpu.dma_semaphore, #tpu.memory_space<semaphore_mem>>)
    %mul3A_143 = arith.constant 65536 : i32
    %mul3A_144 = arith.muli %arg1, %mul3A_143 : i32
    %add3A_145 = arith.constant 61440 : i32
    %add3A_146 = arith.addi %mul3A_144, %add3A_145 : i32
    %dma_start3A_147 = tpu.memref_slice %arg14[%add3A_146] : memref<1048576xf32, #tpu.memory_space<vmem_shared>> -> memref<4096xf32, #tpu.memory_space<vmem_shared>>
    %dma_start3A_148 = tpu.memref_slice %arg14[%add3A_146] : memref<1048576xf32, #tpu.memory_space<vmem_shared>> -> memref<4096xf32, #tpu.memory_space<vmem_shared>>
    tpu.enqueue_dma source(%arg12 : memref<4096xf32, #tpu.memory_space<vmem>>) target(%dma_start3A_148 : memref<4096xf32, #tpu.memory_space<vmem_shared>>) target_semaphore(%arg17 : memref<!tpu.dma_semaphore, #tpu.memory_space<semaphore_mem>>)
    %dma_wait3A = arith.constant 0 : i32
    %dma_wait3A_149 = tpu.memref_slice %arg2[%arg1, %dma_wait3A] : memref<16x4096xi32, #tpu.memory_space<hbm>> -> memref<1x4096xi32, #tpu.memory_space<hbm>>
    %dma_wait3A_150 = tpu.memref_squeeze %dma_wait3A_149 : memref<1x4096xi32, #tpu.memory_space<hbm>> -> memref<4096xi32, #tpu.memory_space<hbm>>
    %dma_wait3A_151 = arith.constant 0 : i32
    %dma_wait3A_152 = tpu.memref_slice %arg2[%arg1, %dma_wait3A_151] : memref<16x4096xi32, #tpu.memory_space<hbm>> -> memref<1x4096xi32, #tpu.memory_space<hbm>>
    %dma_wait3A_153 = tpu.memref_squeeze %dma_wait3A_152 : memref<1x4096xi32, #tpu.memory_space<hbm>> -> memref<4096xi32, #tpu.memory_space<hbm>>
    tpu.wait_dma2 semaphore(%arg16 : memref<!tpu.dma_semaphore, #tpu.memory_space<semaphore_mem>>) src(%dma_wait3A_153 : memref<4096xi32, #tpu.memory_space<hbm>>) dst(%arg5 : memref<4096xi32, #tpu.memory_space<vmem>>)
    %dma_wait3A_154 = arith.constant 0 : i32
    %dma_wait3A_155 = tpu.memref_slice %arg3[%arg1, %dma_wait3A_154] : memref<16x4096xi32, #tpu.memory_space<hbm>> -> memref<1x4096xi32, #tpu.memory_space<hbm>>
    %dma_wait3A_156 = tpu.memref_squeeze %dma_wait3A_155 : memref<1x4096xi32, #tpu.memory_space<hbm>> -> memref<4096xi32, #tpu.memory_space<hbm>>
    %dma_wait3A_157 = arith.constant 0 : i32
    %dma_wait3A_158 = tpu.memref_slice %arg3[%arg1, %dma_wait3A_157] : memref<16x4096xi32, #tpu.memory_space<hbm>> -> memref<1x4096xi32, #tpu.memory_space<hbm>>
    %dma_wait3A_159 = tpu.memref_squeeze %dma_wait3A_158 : memref<1x4096xi32, #tpu.memory_space<hbm>> -> memref<4096xi32, #tpu.memory_space<hbm>>
    tpu.wait_dma2 semaphore(%arg16 : memref<!tpu.dma_semaphore, #tpu.memory_space<semaphore_mem>>) src(%dma_wait3A_159 : memref<4096xi32, #tpu.memory_space<hbm>>) dst(%arg6 : memref<4096xi32, #tpu.memory_space<vmem>>)
    %mul3A_160 = arith.constant 128 : i32
    %mul3A_161 = arith.muli %arg1, %mul3A_160 : i32
    %scan3A_162 = arith.constant 0 : i32
    %scan3A_163 = arith.constant 0 : i32
    %scan3A_164 = arith.constant 32 : i32
    %scan3A_165 = arith.addi %scan3A_163, %scan3A_164 : i32
    %scan3A_166 = arith.constant 1 : i32
    scf.for %scan3A_595 = %scan3A_163 to %scan3A_165 step %scan3A_166  : i32 {
      %mul3A_596 = arith.constant 128 : i32
      %mul3A_597 = arith.muli %scan3A_595, %mul3A_596 : i32
      %add3A_598 = arith.constant 0 : i32
      %add3A_599 = arith.addi %mul3A_597, %add3A_598 : i32
      %get3A = arith.index_cast %add3A_599 : i32 to index
      %get3A_600 = tpu.vector_load %arg5[%get3A] {strides = array<i32>} : memref<4096xi32, #tpu.memory_space<vmem>>, vector<16xi32>,
      %get3A_601 = arith.index_cast %add3A_599 : i32 to index
      %get3A_602 = tpu.vector_load %arg6[%get3A_601] {strides = array<i32>} : memref<4096xi32, #tpu.memory_space<vmem>>, vector<16xi32>,
      %shift_left3A = arith.constant 11 : i32
      %shift_left3A_603 = vector.broadcast %shift_left3A : i32 to vector<16xi32>
      %shift_left3A_604 = arith.shli %get3A_600, %shift_left3A_603 : vector<16xi32>
      %add3A_605 = vector.broadcast %mul3A_161 : i32 to vector<16xi32>
      %add3A_606 = arith.addi %get3A_602, %add3A_605 : vector<16xi32>
      %add3A_607 = arith.addi %shift_left3A_604, %add3A_606 : vector<16xi32>
      %swap3A_608 = arith.index_cast %scan3A_595 : i32 to index
      %swap3A_609 = arith.constant 0 : index
      %swap3A_610 = tpu.vector_load %arg7[%swap3A_608, %swap3A_609] {strides = array<i32>} : memref<32x128xi32, #tpu.memory_space<vmem>>, vector<16xi32>,
      tpu.vector_store %arg7[%swap3A_608, %swap3A_609], %add3A_607 {strides = array<i32>} : memref<32x128xi32, #tpu.memory_space<vmem>>, vector<16xi32>,
      tpu.vector_store_idx %arg10[%get3A_602], %broadcast_in_dim3A_5 {add = true} : memref<128xf32, #tpu.memory_space<vmem>>[vector<16xi32>], vector<16xf32>,
      %mul3A_611 = arith.constant 128 : i32
      %mul3A_612 = arith.muli %scan3A_595, %mul3A_611 : i32
      %add3A_613 = arith.constant 16 : i32
      %add3A_614 = arith.addi %mul3A_612, %add3A_613 : i32
      %get3A_615 = arith.index_cast %add3A_614 : i32 to index
      %get3A_616 = tpu.vector_load %arg5[%get3A_615] {strides = array<i32>} : memref<4096xi32, #tpu.memory_space<vmem>>, vector<16xi32>,
      %get3A_617 = arith.index_cast %add3A_614 : i32 to index
      %get3A_618 = tpu.vector_load %arg6[%get3A_617] {strides = array<i32>} : memref<4096xi32, #tpu.memory_space<vmem>>, vector<16xi32>,
      %shift_left3A_619 = arith.constant 11 : i32
      %shift_left3A_620 = vector.broadcast %shift_left3A_619 : i32 to vector<16xi32>
      %shift_left3A_621 = arith.shli %get3A_616, %shift_left3A_620 : vector<16xi32>
      %add3A_622 = vector.broadcast %mul3A_161 : i32 to vector<16xi32>
      %add3A_623 = arith.addi %get3A_618, %add3A_622 : vector<16xi32>
      %add3A_624 = arith.addi %shift_left3A_621, %add3A_623 : vector<16xi32>
      %swap3A_625 = arith.index_cast %scan3A_595 : i32 to index
      %swap3A_626 = arith.constant 16 : index
      %swap3A_627 = tpu.vector_load %arg7[%swap3A_625, %swap3A_626] {strides = array<i32>} : memref<32x128xi32, #tpu.memory_space<vmem>>, vector<16xi32>,
      tpu.vector_store %arg7[%swap3A_625, %swap3A_626], %add3A_624 {strides = array<i32>} : memref<32x128xi32, #tpu.memory_space<vmem>>, vector<16xi32>,
      tpu.vector_store_idx %arg10[%get3A_618], %broadcast_in_dim3A_5 {add = true} : memref<128xf32, #tpu.memory_space<vmem>>[vector<16xi32>], vector<16xf32>,
      %mul3A_628 = arith.constant 128 : i32
      %mul3A_629 = arith.muli %scan3A_595, %mul3A_628 : i32
      %add3A_630 = arith.constant 32 : i32
      %add3A_631 = arith.addi %mul3A_629, %add3A_630 : i32
      %get3A_632 = arith.index_cast %add3A_631 : i32 to index
      %get3A_633 = tpu.vector_load %arg5[%get3A_632] {strides = array<i32>} : memref<4096xi32, #tpu.memory_space<vmem>>, vector<16xi32>,
      %get3A_634 = arith.index_cast %add3A_631 : i32 to index
      %get3A_635 = tpu.vector_load %arg6[%get3A_634] {strides = array<i32>} : memref<4096xi32, #tpu.memory_space<vmem>>, vector<16xi32>,
      %shift_left3A_636 = arith.constant 11 : i32
      %shift_left3A_637 = vector.broadcast %shift_left3A_636 : i32 to vector<16xi32>
      %shift_left3A_638 = arith.shli %get3A_633, %shift_left3A_637 : vector<16xi32>
      %add3A_639 = vector.broadcast %mul3A_161 : i32 to vector<16xi32>
      %add3A_640 = arith.addi %get3A_635, %add3A_639 : vector<16xi32>
      %add3A_641 = arith.addi %shift_left3A_638, %add3A_640 : vector<16xi32>
      %swap3A_642 = arith.index_cast %scan3A_595 : i32 to index
      %swap3A_643 = arith.constant 32 : index
      %swap3A_644 = tpu.vector_load %arg7[%swap3A_642, %swap3A_643] {strides = array<i32>} : memref<32x128xi32, #tpu.memory_space<vmem>>, vector<16xi32>,
      tpu.vector_store %arg7[%swap3A_642, %swap3A_643], %add3A_641 {strides = array<i32>} : memref<32x128xi32, #tpu.memory_space<vmem>>, vector<16xi32>,
      tpu.vector_store_idx %arg10[%get3A_635], %broadcast_in_dim3A_5 {add = true} : memref<128xf32, #tpu.memory_space<vmem>>[vector<16xi32>], vector<16xf32>,
      %mul3A_645 = arith.constant 128 : i32
      %mul3A_646 = arith.muli %scan3A_595, %mul3A_645 : i32
      %add3A_647 = arith.constant 48 : i32
      %add3A_648 = arith.addi %mul3A_646, %add3A_647 : i32
      %get3A_649 = arith.index_cast %add3A_648 : i32 to index
      %get3A_650 = tpu.vector_load %arg5[%get3A_649] {strides = array<i32>} : memref<4096xi32, #tpu.memory_space<vmem>>, vector<16xi32>,
      %get3A_651 = arith.index_cast %add3A_648 : i32 to index
      %get3A_652 = tpu.vector_load %arg6[%get3A_651] {strides = array<i32>} : memref<4096xi32, #tpu.memory_space<vmem>>, vector<16xi32>,
      %shift_left3A_653 = arith.constant 11 : i32
      %shift_left3A_654 = vector.broadcast %shift_left3A_653 : i32 to vector<16xi32>
      %shift_left3A_655 = arith.shli %get3A_650, %shift_left3A_654 : vector<16xi32>
      %add3A_656 = vector.broadcast %mul3A_161 : i32 to vector<16xi32>
      %add3A_657 = arith.addi %get3A_652, %add3A_656 : vector<16xi32>
      %add3A_658 = arith.addi %shift_left3A_655, %add3A_657 : vector<16xi32>
      %swap3A_659 = arith.index_cast %scan3A_595 : i32 to index
      %swap3A_660 = arith.constant 48 : index
      %swap3A_661 = tpu.vector_load %arg7[%swap3A_659, %swap3A_660] {strides = array<i32>} : memref<32x128xi32, #tpu.memory_space<vmem>>, vector<16xi32>,
      tpu.vector_store %arg7[%swap3A_659, %swap3A_660], %add3A_658 {strides = array<i32>} : memref<32x128xi32, #tpu.memory_space<vmem>>, vector<16xi32>,
      tpu.vector_store_idx %arg10[%get3A_652], %broadcast_in_dim3A_5 {add = true} : memref<128xf32, #tpu.memory_space<vmem>>[vector<16xi32>], vector<16xf32>,
      %mul3A_662 = arith.constant 128 : i32
      %mul3A_663 = arith.muli %scan3A_595, %mul3A_662 : i32
      %add3A_664 = arith.constant 64 : i32
      %add3A_665 = arith.addi %mul3A_663, %add3A_664 : i32
      %get3A_666 = arith.index_cast %add3A_665 : i32 to index
      %get3A_667 = tpu.vector_load %arg5[%get3A_666] {strides = array<i32>} : memref<4096xi32, #tpu.memory_space<vmem>>, vector<16xi32>,
      %get3A_668 = arith.index_cast %add3A_665 : i32 to index
      %get3A_669 = tpu.vector_load %arg6[%get3A_668] {strides = array<i32>} : memref<4096xi32, #tpu.memory_space<vmem>>, vector<16xi32>,
      %shift_left3A_670 = arith.constant 11 : i32
      %shift_left3A_671 = vector.broadcast %shift_left3A_670 : i32 to vector<16xi32>
      %shift_left3A_672 = arith.shli %get3A_667, %shift_left3A_671 : vector<16xi32>
      %add3A_673 = vector.broadcast %mul3A_161 : i32 to vector<16xi32>
      %add3A_674 = arith.addi %get3A_669, %add3A_673 : vector<16xi32>
      %add3A_675 = arith.addi %shift_left3A_672, %add3A_674 : vector<16xi32>
      %swap3A_676 = arith.index_cast %scan3A_595 : i32 to index
      %swap3A_677 = arith.constant 64 : index
      %swap3A_678 = tpu.vector_load %arg7[%swap3A_676, %swap3A_677] {strides = array<i32>} : memref<32x128xi32, #tpu.memory_space<vmem>>, vector<16xi32>,
      tpu.vector_store %arg7[%swap3A_676, %swap3A_677], %add3A_675 {strides = array<i32>} : memref<32x128xi32, #tpu.memory_space<vmem>>, vector<16xi32>,
      tpu.vector_store_idx %arg10[%get3A_669], %broadcast_in_dim3A_5 {add = true} : memref<128xf32, #tpu.memory_space<vmem>>[vector<16xi32>], vector<16xf32>,
      %mul3A_679 = arith.constant 128 : i32
      %mul3A_680 = arith.muli %scan3A_595, %mul3A_679 : i32
      %add3A_681 = arith.constant 80 : i32
      %add3A_682 = arith.addi %mul3A_680, %add3A_681 : i32
      %get3A_683 = arith.index_cast %add3A_682 : i32 to index
      %get3A_684 = tpu.vector_load %arg5[%get3A_683] {strides = array<i32>} : memref<4096xi32, #tpu.memory_space<vmem>>, vector<16xi32>,
      %get3A_685 = arith.index_cast %add3A_682 : i32 to index
      %get3A_686 = tpu.vector_load %arg6[%get3A_685] {strides = array<i32>} : memref<4096xi32, #tpu.memory_space<vmem>>, vector<16xi32>,
      %shift_left3A_687 = arith.constant 11 : i32
      %shift_left3A_688 = vector.broadcast %shift_left3A_687 : i32 to vector<16xi32>
      %shift_left3A_689 = arith.shli %get3A_684, %shift_left3A_688 : vector<16xi32>
      %add3A_690 = vector.broadcast %mul3A_161 : i32 to vector<16xi32>
      %add3A_691 = arith.addi %get3A_686, %add3A_690 : vector<16xi32>
      %add3A_692 = arith.addi %shift_left3A_689, %add3A_691 : vector<16xi32>
      %swap3A_693 = arith.index_cast %scan3A_595 : i32 to index
      %swap3A_694 = arith.constant 80 : index
      %swap3A_695 = tpu.vector_load %arg7[%swap3A_693, %swap3A_694] {strides = array<i32>} : memref<32x128xi32, #tpu.memory_space<vmem>>, vector<16xi32>,
      tpu.vector_store %arg7[%swap3A_693, %swap3A_694], %add3A_692 {strides = array<i32>} : memref<32x128xi32, #tpu.memory_space<vmem>>, vector<16xi32>,
      tpu.vector_store_idx %arg10[%get3A_686], %broadcast_in_dim3A_5 {add = true} : memref<128xf32, #tpu.memory_space<vmem>>[vector<16xi32>], vector<16xf32>,
      %mul3A_696 = arith.constant 128 : i32
      %mul3A_697 = arith.muli %scan3A_595, %mul3A_696 : i32
      %add3A_698 = arith.constant 96 : i32
      %add3A_699 = arith.addi %mul3A_697, %add3A_698 : i32
      %get3A_700 = arith.index_cast %add3A_699 : i32 to index
      %get3A_701 = tpu.vector_load %arg5[%get3A_700] {strides = array<i32>} : memref<4096xi32, #tpu.memory_space<vmem>>, vector<16xi32>,
      %get3A_702 = arith.index_cast %add3A_699 : i32 to index
      %get3A_703 = tpu.vector_load %arg6[%get3A_702] {strides = array<i32>} : memref<4096xi32, #tpu.memory_space<vmem>>, vector<16xi32>,
      %shift_left3A_704 = arith.constant 11 : i32
      %shift_left3A_705 = vector.broadcast %shift_left3A_704 : i32 to vector<16xi32>
      %shift_left3A_706 = arith.shli %get3A_701, %shift_left3A_705 : vector<16xi32>
      %add3A_707 = vector.broadcast %mul3A_161 : i32 to vector<16xi32>
      %add3A_708 = arith.addi %get3A_703, %add3A_707 : vector<16xi32>
      %add3A_709 = arith.addi %shift_left3A_706, %add3A_708 : vector<16xi32>
      %swap3A_710 = arith.index_cast %scan3A_595 : i32 to index
      %swap3A_711 = arith.constant 96 : index
      %swap3A_712 = tpu.vector_load %arg7[%swap3A_710, %swap3A_711] {strides = array<i32>} : memref<32x128xi32, #tpu.memory_space<vmem>>, vector<16xi32>,
      tpu.vector_store %arg7[%swap3A_710, %swap3A_711], %add3A_709 {strides = array<i32>} : memref<32x128xi32, #tpu.memory_space<vmem>>, vector<16xi32>,
      tpu.vector_store_idx %arg10[%get3A_703], %broadcast_in_dim3A_5 {add = true} : memref<128xf32, #tpu.memory_space<vmem>>[vector<16xi32>], vector<16xf32>,
      %mul3A_713 = arith.constant 128 : i32
      %mul3A_714 = arith.muli %scan3A_595, %mul3A_713 : i32
      %add3A_715 = arith.constant 112 : i32
      %add3A_716 = arith.addi %mul3A_714, %add3A_715 : i32
      %get3A_717 = arith.index_cast %add3A_716 : i32 to index
      %get3A_718 = tpu.vector_load %arg5[%get3A_717] {strides = array<i32>} : memref<4096xi32, #tpu.memory_space<vmem>>, vector<16xi32>,
      %get3A_719 = arith.index_cast %add3A_716 : i32 to index
      %get3A_720 = tpu.vector_load %arg6[%get3A_719] {strides = array<i32>} : memref<4096xi32, #tpu.memory_space<vmem>>, vector<16xi32>,
      %shift_left3A_721 = arith.constant 11 : i32
      %shift_left3A_722 = vector.broadcast %shift_left3A_721 : i32 to vector<16xi32>
      %shift_left3A_723 = arith.shli %get3A_718, %shift_left3A_722 : vector<16xi32>
      %add3A_724 = vector.broadcast %mul3A_161 : i32 to vector<16xi32>
      %add3A_725 = arith.addi %get3A_720, %add3A_724 : vector<16xi32>
      %add3A_726 = arith.addi %shift_left3A_723, %add3A_725 : vector<16xi32>
      %swap3A_727 = arith.index_cast %scan3A_595 : i32 to index
      %swap3A_728 = arith.constant 112 : index
      %swap3A_729 = tpu.vector_load %arg7[%swap3A_727, %swap3A_728] {strides = array<i32>} : memref<32x128xi32, #tpu.memory_space<vmem>>, vector<16xi32>,
      tpu.vector_store %arg7[%swap3A_727, %swap3A_728], %add3A_726 {strides = array<i32>} : memref<32x128xi32, #tpu.memory_space<vmem>>, vector<16xi32>,
      tpu.vector_store_idx %arg10[%get3A_720], %broadcast_in_dim3A_5 {add = true} : memref<128xf32, #tpu.memory_space<vmem>>[vector<16xi32>], vector<16xf32>,
    }
    %scan3A_167 = arith.constant 32 : i32
    %mul3A_168 = arith.constant 128 : i32
    %mul3A_169 = arith.muli %arg1, %mul3A_168 : i32
    "tpu.region"() ({
      %run_scoped3A = tpu.sem_alloc : memref<!tpu.dma_semaphore, #tpu.memory_space<semaphore_mem>>
      %dma_start3A_595 = tpu.memref_slice %arg15[%mul3A_169] : memref<2048xf32, #tpu.memory_space<vmem_shared>> -> memref<128xf32, #tpu.memory_space<vmem_shared>>
      %dma_start3A_596 = tpu.memref_slice %arg15[%mul3A_169] : memref<2048xf32, #tpu.memory_space<vmem_shared>> -> memref<128xf32, #tpu.memory_space<vmem_shared>>
      tpu.enqueue_dma source(%arg10 : memref<128xf32, #tpu.memory_space<vmem>>) target(%dma_start3A_596 : memref<128xf32, #tpu.memory_space<vmem_shared>>) target_semaphore(%run_scoped3A : memref<!tpu.dma_semaphore, #tpu.memory_space<semaphore_mem>>)
      %dma_wait3A_597 = tpu.memref_slice %arg15[%mul3A_169] : memref<2048xf32, #tpu.memory_space<vmem_shared>> -> memref<128xf32, #tpu.memory_space<vmem_shared>>
      %dma_wait3A_598 = tpu.memref_slice %arg15[%mul3A_169] : memref<2048xf32, #tpu.memory_space<vmem_shared>> -> memref<128xf32, #tpu.memory_space<vmem_shared>>
      tpu.wait_dma2 semaphore(%run_scoped3A : memref<!tpu.dma_semaphore, #tpu.memory_space<semaphore_mem>>) src(%arg10 : memref<128xf32, #tpu.memory_space<vmem>>) dst(%dma_wait3A_598 : memref<128xf32, #tpu.memory_space<vmem_shared>>)
      tpu.yield
    }) : () -> ()
    %dma_wait3A_170 = tpu.memref_slice %arg14[%add3A_56] : memref<1048576xf32, #tpu.memory_space<vmem_shared>> -> memref<4096xf32, #tpu.memory_space<vmem_shared>>
    %dma_wait3A_171 = tpu.memref_slice %arg14[%add3A_56] : memref<1048576xf32, #tpu.memory_space<vmem_shared>> -> memref<4096xf32, #tpu.memory_space<vmem_shared>>
    tpu.wait_dma2 semaphore(%arg17 : memref<!tpu.dma_semaphore, #tpu.memory_space<semaphore_mem>>) src(%arg12 : memref<4096xf32, #tpu.memory_space<vmem>>) dst(%dma_wait3A_171 : memref<4096xf32, #tpu.memory_space<vmem_shared>>)
    %dma_wait3A_172 = tpu.memref_slice %arg14[%add3A_62] : memref<1048576xf32, #tpu.memory_space<vmem_shared>> -> memref<4096xf32, #tpu.memory_space<vmem_shared>>
    %dma_wait3A_173 = tpu.memref_slice %arg14[%add3A_62] : memref<1048576xf32, #tpu.memory_space<vmem_shared>> -> memref<4096xf32, #tpu.memory_space<vmem_shared>>
    tpu.wait_dma2 semaphore(%arg17 : memref<!tpu.dma_semaphore, #tpu.memory_space<semaphore_mem>>) src(%arg12 : memref<4096xf32, #tpu.memory_space<vmem>>) dst(%dma_wait3A_173 : memref<4096xf32, #tpu.memory_space<vmem_shared>>)
    %dma_wait3A_174 = tpu.memref_slice %arg14[%add3A_68] : memref<1048576xf32, #tpu.memory_space<vmem_shared>> -> memref<4096xf32, #tpu.memory_space<vmem_shared>>
    %dma_wait3A_175 = tpu.memref_slice %arg14[%add3A_68] : memref<1048576xf32, #tpu.memory_space<vmem_shared>> -> memref<4096xf32, #tpu.memory_space<vmem_shared>>
    tpu.wait_dma2 semaphore(%arg17 : memref<!tpu.dma_semaphore, #tpu.memory_space<semaphore_mem>>) src(%arg12 : memref<4096xf32, #tpu.memory_space<vmem>>) dst(%dma_wait3A_175 : memref<4096xf32, #tpu.memory_space<vmem_shared>>)
    %dma_wait3A_176 = tpu.memref_slice %arg14[%add3A_74] : memref<1048576xf32, #tpu.memory_space<vmem_shared>> -> memref<4096xf32, #tpu.memory_space<vmem_shared>>
    %dma_wait3A_177 = tpu.memref_slice %arg14[%add3A_74] : memref<1048576xf32, #tpu.memory_space<vmem_shared>> -> memref<4096xf32, #tpu.memory_space<vmem_shared>>
    tpu.wait_dma2 semaphore(%arg17 : memref<!tpu.dma_semaphore, #tpu.memory_space<semaphore_mem>>) src(%arg12 : memref<4096xf32, #tpu.memory_space<vmem>>) dst(%dma_wait3A_177 : memref<4096xf32, #tpu.memory_space<vmem_shared>>)
    %dma_wait3A_178 = tpu.memref_slice %arg14[%add3A_80] : memref<1048576xf32, #tpu.memory_space<vmem_shared>> -> memref<4096xf32, #tpu.memory_space<vmem_shared>>
    %dma_wait3A_179 = tpu.memref_slice %arg14[%add3A_80] : memref<1048576xf32, #tpu.memory_space<vmem_shared>> -> memref<4096xf32, #tpu.memory_space<vmem_shared>>
    tpu.wait_dma2 semaphore(%arg17 : memref<!tpu.dma_semaphore, #tpu.memory_space<semaphore_mem>>) src(%arg12 : memref<4096xf32, #tpu.memory_space<vmem>>) dst(%dma_wait3A_179 : memref<4096xf32, #tpu.memory_space<vmem_shared>>)
    %dma_wait3A_180 = tpu.memref_slice %arg14[%add3A_86] : memref<1048576xf32, #tpu.memory_space<vmem_shared>> -> memref<4096xf32, #tpu.memory_space<vmem_shared>>
    %dma_wait3A_181 = tpu.memref_slice %arg14[%add3A_86] : memref<1048576xf32, #tpu.memory_space<vmem_shared>> -> memref<4096xf32, #tpu.memory_space<vmem_shared>>
    tpu.wait_dma2 semaphore(%arg17 : memref<!tpu.dma_semaphore, #tpu.memory_space<semaphore_mem>>) src(%arg12 : memref<4096xf32, #tpu.memory_space<vmem>>) dst(%dma_wait3A_181 : memref<4096xf32, #tpu.memory_space<vmem_shared>>)
    %dma_wait3A_182 = tpu.memref_slice %arg14[%add3A_92] : memref<1048576xf32, #tpu.memory_space<vmem_shared>> -> memref<4096xf32, #tpu.memory_space<vmem_shared>>
    %dma_wait3A_183 = tpu.memref_slice %arg14[%add3A_92] : memref<1048576xf32, #tpu.memory_space<vmem_shared>> -> memref<4096xf32, #tpu.memory_space<vmem_shared>>
    tpu.wait_dma2 semaphore(%arg17 : memref<!tpu.dma_semaphore, #tpu.memory_space<semaphore_mem>>) src(%arg12 : memref<4096xf32, #tpu.memory_space<vmem>>) dst(%dma_wait3A_183 : memref<4096xf32, #tpu.memory_space<vmem_shared>>)
    %dma_wait3A_184 = tpu.memref_slice %arg14[%add3A_98] : memref<1048576xf32, #tpu.memory_space<vmem_shared>> -> memref<4096xf32, #tpu.memory_space<vmem_shared>>
    %dma_wait3A_185 = tpu.memref_slice %arg14[%add3A_98] : memref<1048576xf32, #tpu.memory_space<vmem_shared>> -> memref<4096xf32, #tpu.memory_space<vmem_shared>>
    tpu.wait_dma2 semaphore(%arg17 : memref<!tpu.dma_semaphore, #tpu.memory_space<semaphore_mem>>) src(%arg12 : memref<4096xf32, #tpu.memory_space<vmem>>) dst(%dma_wait3A_185 : memref<4096xf32, #tpu.memory_space<vmem_shared>>)
    %dma_wait3A_186 = tpu.memref_slice %arg14[%add3A_104] : memref<1048576xf32, #tpu.memory_space<vmem_shared>> -> memref<4096xf32, #tpu.memory_space<vmem_shared>>
    %dma_wait3A_187 = tpu.memref_slice %arg14[%add3A_104] : memref<1048576xf32, #tpu.memory_space<vmem_shared>> -> memref<4096xf32, #tpu.memory_space<vmem_shared>>
    tpu.wait_dma2 semaphore(%arg17 : memref<!tpu.dma_semaphore, #tpu.memory_space<semaphore_mem>>) src(%arg12 : memref<4096xf32, #tpu.memory_space<vmem>>) dst(%dma_wait3A_187 : memref<4096xf32, #tpu.memory_space<vmem_shared>>)
    %dma_wait3A_188 = tpu.memref_slice %arg14[%add3A_110] : memref<1048576xf32, #tpu.memory_space<vmem_shared>> -> memref<4096xf32, #tpu.memory_space<vmem_shared>>
    %dma_wait3A_189 = tpu.memref_slice %arg14[%add3A_110] : memref<1048576xf32, #tpu.memory_space<vmem_shared>> -> memref<4096xf32, #tpu.memory_space<vmem_shared>>
    tpu.wait_dma2 semaphore(%arg17 : memref<!tpu.dma_semaphore, #tpu.memory_space<semaphore_mem>>) src(%arg12 : memref<4096xf32, #tpu.memory_space<vmem>>) dst(%dma_wait3A_189 : memref<4096xf32, #tpu.memory_space<vmem_shared>>)
    %dma_wait3A_190 = tpu.memref_slice %arg14[%add3A_116] : memref<1048576xf32, #tpu.memory_space<vmem_shared>> -> memref<4096xf32, #tpu.memory_space<vmem_shared>>
    %dma_wait3A_191 = tpu.memref_slice %arg14[%add3A_116] : memref<1048576xf32, #tpu.memory_space<vmem_shared>> -> memref<4096xf32, #tpu.memory_space<vmem_shared>>
    tpu.wait_dma2 semaphore(%arg17 : memref<!tpu.dma_semaphore, #tpu.memory_space<semaphore_mem>>) src(%arg12 : memref<4096xf32, #tpu.memory_space<vmem>>) dst(%dma_wait3A_191 : memref<4096xf32, #tpu.memory_space<vmem_shared>>)
    %dma_wait3A_192 = tpu.memref_slice %arg14[%add3A_122] : memref<1048576xf32, #tpu.memory_space<vmem_shared>> -> memref<4096xf32, #tpu.memory_space<vmem_shared>>
    %dma_wait3A_193 = tpu.memref_slice %arg14[%add3A_122] : memref<1048576xf32, #tpu.memory_space<vmem_shared>> -> memref<4096xf32, #tpu.memory_space<vmem_shared>>
    tpu.wait_dma2 semaphore(%arg17 : memref<!tpu.dma_semaphore, #tpu.memory_space<semaphore_mem>>) src(%arg12 : memref<4096xf32, #tpu.memory_space<vmem>>) dst(%dma_wait3A_193 : memref<4096xf32, #tpu.memory_space<vmem_shared>>)
    %dma_wait3A_194 = tpu.memref_slice %arg14[%add3A_128] : memref<1048576xf32, #tpu.memory_space<vmem_shared>> -> memref<4096xf32, #tpu.memory_space<vmem_shared>>
    %dma_wait3A_195 = tpu.memref_slice %arg14[%add3A_128] : memref<1048576xf32, #tpu.memory_space<vmem_shared>> -> memref<4096xf32, #tpu.memory_space<vmem_shared>>
    tpu.wait_dma2 semaphore(%arg17 : memref<!tpu.dma_semaphore, #tpu.memory_space<semaphore_mem>>) src(%arg12 : memref<4096xf32, #tpu.memory_space<vmem>>) dst(%dma_wait3A_195 : memref<4096xf32, #tpu.memory_space<vmem_shared>>)
    %dma_wait3A_196 = tpu.memref_slice %arg14[%add3A_134] : memref<1048576xf32, #tpu.memory_space<vmem_shared>> -> memref<4096xf32, #tpu.memory_space<vmem_shared>>
    %dma_wait3A_197 = tpu.memref_slice %arg14[%add3A_134] : memref<1048576xf32, #tpu.memory_space<vmem_shared>> -> memref<4096xf32, #tpu.memory_space<vmem_shared>>
    tpu.wait_dma2 semaphore(%arg17 : memref<!tpu.dma_semaphore, #tpu.memory_space<semaphore_mem>>) src(%arg12 : memref<4096xf32, #tpu.memory_space<vmem>>) dst(%dma_wait3A_197 : memref<4096xf32, #tpu.memory_space<vmem_shared>>)
    %dma_wait3A_198 = tpu.memref_slice %arg14[%add3A_140] : memref<1048576xf32, #tpu.memory_space<vmem_shared>> -> memref<4096xf32, #tpu.memory_space<vmem_shared>>
    %dma_wait3A_199 = tpu.memref_slice %arg14[%add3A_140] : memref<1048576xf32, #tpu.memory_space<vmem_shared>> -> memref<4096xf32, #tpu.memory_space<vmem_shared>>
    tpu.wait_dma2 semaphore(%arg17 : memref<!tpu.dma_semaphore, #tpu.memory_space<semaphore_mem>>) src(%arg12 : memref<4096xf32, #tpu.memory_space<vmem>>) dst(%dma_wait3A_199 : memref<4096xf32, #tpu.memory_space<vmem_shared>>)
    %dma_wait3A_200 = tpu.memref_slice %arg14[%add3A_146] : memref<1048576xf32, #tpu.memory_space<vmem_shared>> -> memref<4096xf32, #tpu.memory_space<vmem_shared>>
    %dma_wait3A_201 = tpu.memref_slice %arg14[%add3A_146] : memref<1048576xf32, #tpu.memory_space<vmem_shared>> -> memref<4096xf32, #tpu.memory_space<vmem_shared>>
    tpu.wait_dma2 semaphore(%arg17 : memref<!tpu.dma_semaphore, #tpu.memory_space<semaphore_mem>>) src(%arg12 : memref<4096xf32, #tpu.memory_space<vmem>>) dst(%dma_wait3A_201 : memref<4096xf32, #tpu.memory_space<vmem_shared>>)
    %barrier3A = arith.constant 0 : index
    tpu.barrier barrier_id(%barrier3A)
    %dma_start3A_202 = arith.constant 0 : i32
    %dma_start3A_203 = arith.constant 0 : i32
    %dma_start3A_204 = tpu.memref_slice %arg7[%dma_start3A_202, %dma_start3A_203] : memref<32x128xi32, #tpu.memory_space<vmem>> -> memref<1x128xi32, #tpu.memory_space<vmem>>
    %dma_start3A_205 = tpu.memref_squeeze %dma_start3A_204 : memref<1x128xi32, #tpu.memory_space<vmem>> -> memref<128xi32, #tpu.memory_space<vmem>>
    %dma_start3A_206 = arith.constant 0 : i32
    %dma_start3A_207 = tpu.memref_slice %arg14[%dma_start3A_206] : memref<1048576xf32, #tpu.memory_space<vmem_shared>> -> memref<1048576xf32, #tpu.memory_space<vmem_shared>>
    tpu.enqueue_indirect_dma source(%arg13 : memref<128xf32, #tpu.memory_space<vmem>>) target(%dma_start3A_207 : memref<1048576xf32, #tpu.memory_space<vmem_shared>>) offsets(%dma_start3A_205 : memref<128xi32, #tpu.memory_space<vmem>>) semaphore(%arg18 : memref<!tpu.dma_semaphore, #tpu.memory_space<semaphore_mem>>) {add = true}
    %dma_start3A_208 = arith.constant 1 : i32
    %dma_start3A_209 = arith.constant 0 : i32
    %dma_start3A_210 = tpu.memref_slice %arg7[%dma_start3A_208, %dma_start3A_209] : memref<32x128xi32, #tpu.memory_space<vmem>> -> memref<1x128xi32, #tpu.memory_space<vmem>>
    %dma_start3A_211 = tpu.memref_squeeze %dma_start3A_210 : memref<1x128xi32, #tpu.memory_space<vmem>> -> memref<128xi32, #tpu.memory_space<vmem>>
    %dma_start3A_212 = arith.constant 0 : i32
    %dma_start3A_213 = tpu.memref_slice %arg14[%dma_start3A_212] : memref<1048576xf32, #tpu.memory_space<vmem_shared>> -> memref<1048576xf32, #tpu.memory_space<vmem_shared>>
    tpu.enqueue_indirect_dma source(%arg13 : memref<128xf32, #tpu.memory_space<vmem>>) target(%dma_start3A_213 : memref<1048576xf32, #tpu.memory_space<vmem_shared>>) offsets(%dma_start3A_211 : memref<128xi32, #tpu.memory_space<vmem>>) semaphore(%arg18 : memref<!tpu.dma_semaphore, #tpu.memory_space<semaphore_mem>>) {add = true}
    %dma_start3A_214 = arith.constant 2 : i32
    %dma_start3A_215 = arith.constant 0 : i32
    %dma_start3A_216 = tpu.memref_slice %arg7[%dma_start3A_214, %dma_start3A_215] : memref<32x128xi32, #tpu.memory_space<vmem>> -> memref<1x128xi32, #tpu.memory_space<vmem>>
    %dma_start3A_217 = tpu.memref_squeeze %dma_start3A_216 : memref<1x128xi32, #tpu.memory_space<vmem>> -> memref<128xi32, #tpu.memory_space<vmem>>
    %dma_start3A_218 = arith.constant 0 : i32
    %dma_start3A_219 = tpu.memref_slice %arg14[%dma_start3A_218] : memref<1048576xf32, #tpu.memory_space<vmem_shared>> -> memref<1048576xf32, #tpu.memory_space<vmem_shared>>
    tpu.enqueue_indirect_dma source(%arg13 : memref<128xf32, #tpu.memory_space<vmem>>) target(%dma_start3A_219 : memref<1048576xf32, #tpu.memory_space<vmem_shared>>) offsets(%dma_start3A_217 : memref<128xi32, #tpu.memory_space<vmem>>) semaphore(%arg18 : memref<!tpu.dma_semaphore, #tpu.memory_space<semaphore_mem>>) {add = true}
    %dma_start3A_220 = arith.constant 3 : i32
    %dma_start3A_221 = arith.constant 0 : i32
    %dma_start3A_222 = tpu.memref_slice %arg7[%dma_start3A_220, %dma_start3A_221] : memref<32x128xi32, #tpu.memory_space<vmem>> -> memref<1x128xi32, #tpu.memory_space<vmem>>
    %dma_start3A_223 = tpu.memref_squeeze %dma_start3A_222 : memref<1x128xi32, #tpu.memory_space<vmem>> -> memref<128xi32, #tpu.memory_space<vmem>>
    %dma_start3A_224 = arith.constant 0 : i32
    %dma_start3A_225 = tpu.memref_slice %arg14[%dma_start3A_224] : memref<1048576xf32, #tpu.memory_space<vmem_shared>> -> memref<1048576xf32, #tpu.memory_space<vmem_shared>>
    tpu.enqueue_indirect_dma source(%arg13 : memref<128xf32, #tpu.memory_space<vmem>>) target(%dma_start3A_225 : memref<1048576xf32, #tpu.memory_space<vmem_shared>>) offsets(%dma_start3A_223 : memref<128xi32, #tpu.memory_space<vmem>>) semaphore(%arg18 : memref<!tpu.dma_semaphore, #tpu.memory_space<semaphore_mem>>) {add = true}
    %dma_start3A_226 = arith.constant 4 : i32
    %dma_start3A_227 = arith.constant 0 : i32
    %dma_start3A_228 = tpu.memref_slice %arg7[%dma_start3A_226, %dma_start3A_227] : memref<32x128xi32, #tpu.memory_space<vmem>> -> memref<1x128xi32, #tpu.memory_space<vmem>>
    %dma_start3A_229 = tpu.memref_squeeze %dma_start3A_228 : memref<1x128xi32, #tpu.memory_space<vmem>> -> memref<128xi32, #tpu.memory_space<vmem>>
    %dma_start3A_230 = arith.constant 0 : i32
    %dma_start3A_231 = tpu.memref_slice %arg14[%dma_start3A_230] : memref<1048576xf32, #tpu.memory_space<vmem_shared>> -> memref<1048576xf32, #tpu.memory_space<vmem_shared>>
    tpu.enqueue_indirect_dma source(%arg13 : memref<128xf32, #tpu.memory_space<vmem>>) target(%dma_start3A_231 : memref<1048576xf32, #tpu.memory_space<vmem_shared>>) offsets(%dma_start3A_229 : memref<128xi32, #tpu.memory_space<vmem>>) semaphore(%arg18 : memref<!tpu.dma_semaphore, #tpu.memory_space<semaphore_mem>>) {add = true}
    %dma_start3A_232 = arith.constant 5 : i32
    %dma_start3A_233 = arith.constant 0 : i32
    %dma_start3A_234 = tpu.memref_slice %arg7[%dma_start3A_232, %dma_start3A_233] : memref<32x128xi32, #tpu.memory_space<vmem>> -> memref<1x128xi32, #tpu.memory_space<vmem>>
    %dma_start3A_235 = tpu.memref_squeeze %dma_start3A_234 : memref<1x128xi32, #tpu.memory_space<vmem>> -> memref<128xi32, #tpu.memory_space<vmem>>
    %dma_start3A_236 = arith.constant 0 : i32
    %dma_start3A_237 = tpu.memref_slice %arg14[%dma_start3A_236] : memref<1048576xf32, #tpu.memory_space<vmem_shared>> -> memref<1048576xf32, #tpu.memory_space<vmem_shared>>
    tpu.enqueue_indirect_dma source(%arg13 : memref<128xf32, #tpu.memory_space<vmem>>) target(%dma_start3A_237 : memref<1048576xf32, #tpu.memory_space<vmem_shared>>) offsets(%dma_start3A_235 : memref<128xi32, #tpu.memory_space<vmem>>) semaphore(%arg18 : memref<!tpu.dma_semaphore, #tpu.memory_space<semaphore_mem>>) {add = true}
    %dma_start3A_238 = arith.constant 6 : i32
    %dma_start3A_239 = arith.constant 0 : i32
    %dma_start3A_240 = tpu.memref_slice %arg7[%dma_start3A_238, %dma_start3A_239] : memref<32x128xi32, #tpu.memory_space<vmem>> -> memref<1x128xi32, #tpu.memory_space<vmem>>
    %dma_start3A_241 = tpu.memref_squeeze %dma_start3A_240 : memref<1x128xi32, #tpu.memory_space<vmem>> -> memref<128xi32, #tpu.memory_space<vmem>>
    %dma_start3A_242 = arith.constant 0 : i32
    %dma_start3A_243 = tpu.memref_slice %arg14[%dma_start3A_242] : memref<1048576xf32, #tpu.memory_space<vmem_shared>> -> memref<1048576xf32, #tpu.memory_space<vmem_shared>>
    tpu.enqueue_indirect_dma source(%arg13 : memref<128xf32, #tpu.memory_space<vmem>>) target(%dma_start3A_243 : memref<1048576xf32, #tpu.memory_space<vmem_shared>>) offsets(%dma_start3A_241 : memref<128xi32, #tpu.memory_space<vmem>>) semaphore(%arg18 : memref<!tpu.dma_semaphore, #tpu.memory_space<semaphore_mem>>) {add = true}
    %dma_start3A_244 = arith.constant 7 : i32
    %dma_start3A_245 = arith.constant 0 : i32
    %dma_start3A_246 = tpu.memref_slice %arg7[%dma_start3A_244, %dma_start3A_245] : memref<32x128xi32, #tpu.memory_space<vmem>> -> memref<1x128xi32, #tpu.memory_space<vmem>>
    %dma_start3A_247 = tpu.memref_squeeze %dma_start3A_246 : memref<1x128xi32, #tpu.memory_space<vmem>> -> memref<128xi32, #tpu.memory_space<vmem>>
    %dma_start3A_248 = arith.constant 0 : i32
    %dma_start3A_249 = tpu.memref_slice %arg14[%dma_start3A_248] : memref<1048576xf32, #tpu.memory_space<vmem_shared>> -> memref<1048576xf32, #tpu.memory_space<vmem_shared>>
    tpu.enqueue_indirect_dma source(%arg13 : memref<128xf32, #tpu.memory_space<vmem>>) target(%dma_start3A_249 : memref<1048576xf32, #tpu.memory_space<vmem_shared>>) offsets(%dma_start3A_247 : memref<128xi32, #tpu.memory_space<vmem>>) semaphore(%arg18 : memref<!tpu.dma_semaphore, #tpu.memory_space<semaphore_mem>>) {add = true}
    %dma_start3A_250 = arith.constant 8 : i32
    %dma_start3A_251 = arith.constant 0 : i32
    %dma_start3A_252 = tpu.memref_slice %arg7[%dma_start3A_250, %dma_start3A_251] : memref<32x128xi32, #tpu.memory_space<vmem>> -> memref<1x128xi32, #tpu.memory_space<vmem>>
    %dma_start3A_253 = tpu.memref_squeeze %dma_start3A_252 : memref<1x128xi32, #tpu.memory_space<vmem>> -> memref<128xi32, #tpu.memory_space<vmem>>
    %dma_start3A_254 = arith.constant 0 : i32
    %dma_start3A_255 = tpu.memref_slice %arg14[%dma_start3A_254] : memref<1048576xf32, #tpu.memory_space<vmem_shared>> -> memref<1048576xf32, #tpu.memory_space<vmem_shared>>
    tpu.enqueue_indirect_dma source(%arg13 : memref<128xf32, #tpu.memory_space<vmem>>) target(%dma_start3A_255 : memref<1048576xf32, #tpu.memory_space<vmem_shared>>) offsets(%dma_start3A_253 : memref<128xi32, #tpu.memory_space<vmem>>) semaphore(%arg18 : memref<!tpu.dma_semaphore, #tpu.memory_space<semaphore_mem>>) {add = true}
    %dma_start3A_256 = arith.constant 9 : i32
    %dma_start3A_257 = arith.constant 0 : i32
    %dma_start3A_258 = tpu.memref_slice %arg7[%dma_start3A_256, %dma_start3A_257] : memref<32x128xi32, #tpu.memory_space<vmem>> -> memref<1x128xi32, #tpu.memory_space<vmem>>
    %dma_start3A_259 = tpu.memref_squeeze %dma_start3A_258 : memref<1x128xi32, #tpu.memory_space<vmem>> -> memref<128xi32, #tpu.memory_space<vmem>>
    %dma_start3A_260 = arith.constant 0 : i32
    %dma_start3A_261 = tpu.memref_slice %arg14[%dma_start3A_260] : memref<1048576xf32, #tpu.memory_space<vmem_shared>> -> memref<1048576xf32, #tpu.memory_space<vmem_shared>>
    tpu.enqueue_indirect_dma source(%arg13 : memref<128xf32, #tpu.memory_space<vmem>>) target(%dma_start3A_261 : memref<1048576xf32, #tpu.memory_space<vmem_shared>>) offsets(%dma_start3A_259 : memref<128xi32, #tpu.memory_space<vmem>>) semaphore(%arg18 : memref<!tpu.dma_semaphore, #tpu.memory_space<semaphore_mem>>) {add = true}
    %dma_start3A_262 = arith.constant 10 : i32
    %dma_start3A_263 = arith.constant 0 : i32
    %dma_start3A_264 = tpu.memref_slice %arg7[%dma_start3A_262, %dma_start3A_263] : memref<32x128xi32, #tpu.memory_space<vmem>> -> memref<1x128xi32, #tpu.memory_space<vmem>>
    %dma_start3A_265 = tpu.memref_squeeze %dma_start3A_264 : memref<1x128xi32, #tpu.memory_space<vmem>> -> memref<128xi32, #tpu.memory_space<vmem>>
    %dma_start3A_266 = arith.constant 0 : i32
    %dma_start3A_267 = tpu.memref_slice %arg14[%dma_start3A_266] : memref<1048576xf32, #tpu.memory_space<vmem_shared>> -> memref<1048576xf32, #tpu.memory_space<vmem_shared>>
    tpu.enqueue_indirect_dma source(%arg13 : memref<128xf32, #tpu.memory_space<vmem>>) target(%dma_start3A_267 : memref<1048576xf32, #tpu.memory_space<vmem_shared>>) offsets(%dma_start3A_265 : memref<128xi32, #tpu.memory_space<vmem>>) semaphore(%arg18 : memref<!tpu.dma_semaphore, #tpu.memory_space<semaphore_mem>>) {add = true}
    %dma_start3A_268 = arith.constant 11 : i32
    %dma_start3A_269 = arith.constant 0 : i32
    %dma_start3A_270 = tpu.memref_slice %arg7[%dma_start3A_268, %dma_start3A_269] : memref<32x128xi32, #tpu.memory_space<vmem>> -> memref<1x128xi32, #tpu.memory_space<vmem>>
    %dma_start3A_271 = tpu.memref_squeeze %dma_start3A_270 : memref<1x128xi32, #tpu.memory_space<vmem>> -> memref<128xi32, #tpu.memory_space<vmem>>
    %dma_start3A_272 = arith.constant 0 : i32
    %dma_start3A_273 = tpu.memref_slice %arg14[%dma_start3A_272] : memref<1048576xf32, #tpu.memory_space<vmem_shared>> -> memref<1048576xf32, #tpu.memory_space<vmem_shared>>
    tpu.enqueue_indirect_dma source(%arg13 : memref<128xf32, #tpu.memory_space<vmem>>) target(%dma_start3A_273 : memref<1048576xf32, #tpu.memory_space<vmem_shared>>) offsets(%dma_start3A_271 : memref<128xi32, #tpu.memory_space<vmem>>) semaphore(%arg18 : memref<!tpu.dma_semaphore, #tpu.memory_space<semaphore_mem>>) {add = true}
    %dma_start3A_274 = arith.constant 12 : i32
    %dma_start3A_275 = arith.constant 0 : i32
    %dma_start3A_276 = tpu.memref_slice %arg7[%dma_start3A_274, %dma_start3A_275] : memref<32x128xi32, #tpu.memory_space<vmem>> -> memref<1x128xi32, #tpu.memory_space<vmem>>
    %dma_start3A_277 = tpu.memref_squeeze %dma_start3A_276 : memref<1x128xi32, #tpu.memory_space<vmem>> -> memref<128xi32, #tpu.memory_space<vmem>>
    %dma_start3A_278 = arith.constant 0 : i32
    %dma_start3A_279 = tpu.memref_slice %arg14[%dma_start3A_278] : memref<1048576xf32, #tpu.memory_space<vmem_shared>> -> memref<1048576xf32, #tpu.memory_space<vmem_shared>>
    tpu.enqueue_indirect_dma source(%arg13 : memref<128xf32, #tpu.memory_space<vmem>>) target(%dma_start3A_279 : memref<1048576xf32, #tpu.memory_space<vmem_shared>>) offsets(%dma_start3A_277 : memref<128xi32, #tpu.memory_space<vmem>>) semaphore(%arg18 : memref<!tpu.dma_semaphore, #tpu.memory_space<semaphore_mem>>) {add = true}
    %dma_start3A_280 = arith.constant 13 : i32
    %dma_start3A_281 = arith.constant 0 : i32
    %dma_start3A_282 = tpu.memref_slice %arg7[%dma_start3A_280, %dma_start3A_281] : memref<32x128xi32, #tpu.memory_space<vmem>> -> memref<1x128xi32, #tpu.memory_space<vmem>>
    %dma_start3A_283 = tpu.memref_squeeze %dma_start3A_282 : memref<1x128xi32, #tpu.memory_space<vmem>> -> memref<128xi32, #tpu.memory_space<vmem>>
    %dma_start3A_284 = arith.constant 0 : i32
    %dma_start3A_285 = tpu.memref_slice %arg14[%dma_start3A_284] : memref<1048576xf32, #tpu.memory_space<vmem_shared>> -> memref<1048576xf32, #tpu.memory_space<vmem_shared>>
    tpu.enqueue_indirect_dma source(%arg13 : memref<128xf32, #tpu.memory_space<vmem>>) target(%dma_start3A_285 : memref<1048576xf32, #tpu.memory_space<vmem_shared>>) offsets(%dma_start3A_283 : memref<128xi32, #tpu.memory_space<vmem>>) semaphore(%arg18 : memref<!tpu.dma_semaphore, #tpu.memory_space<semaphore_mem>>) {add = true}
    %dma_start3A_286 = arith.constant 14 : i32
    %dma_start3A_287 = arith.constant 0 : i32
    %dma_start3A_288 = tpu.memref_slice %arg7[%dma_start3A_286, %dma_start3A_287] : memref<32x128xi32, #tpu.memory_space<vmem>> -> memref<1x128xi32, #tpu.memory_space<vmem>>
    %dma_start3A_289 = tpu.memref_squeeze %dma_start3A_288 : memref<1x128xi32, #tpu.memory_space<vmem>> -> memref<128xi32, #tpu.memory_space<vmem>>
    %dma_start3A_290 = arith.constant 0 : i32
    %dma_start3A_291 = tpu.memref_slice %arg14[%dma_start3A_290] : memref<1048576xf32, #tpu.memory_space<vmem_shared>> -> memref<1048576xf32, #tpu.memory_space<vmem_shared>>
    tpu.enqueue_indirect_dma source(%arg13 : memref<128xf32, #tpu.memory_space<vmem>>) target(%dma_start3A_291 : memref<1048576xf32, #tpu.memory_space<vmem_shared>>) offsets(%dma_start3A_289 : memref<128xi32, #tpu.memory_space<vmem>>) semaphore(%arg18 : memref<!tpu.dma_semaphore, #tpu.memory_space<semaphore_mem>>) {add = true}
    %dma_start3A_292 = arith.constant 15 : i32
    %dma_start3A_293 = arith.constant 0 : i32
    %dma_start3A_294 = tpu.memref_slice %arg7[%dma_start3A_292, %dma_start3A_293] : memref<32x128xi32, #tpu.memory_space<vmem>> -> memref<1x128xi32, #tpu.memory_space<vmem>>
    %dma_start3A_295 = tpu.memref_squeeze %dma_start3A_294 : memref<1x128xi32, #tpu.memory_space<vmem>> -> memref<128xi32, #tpu.memory_space<vmem>>
    %dma_start3A_296 = arith.constant 0 : i32
    %dma_start3A_297 = tpu.memref_slice %arg14[%dma_start3A_296] : memref<1048576xf32, #tpu.memory_space<vmem_shared>> -> memref<1048576xf32, #tpu.memory_space<vmem_shared>>
    tpu.enqueue_indirect_dma source(%arg13 : memref<128xf32, #tpu.memory_space<vmem>>) target(%dma_start3A_297 : memref<1048576xf32, #tpu.memory_space<vmem_shared>>) offsets(%dma_start3A_295 : memref<128xi32, #tpu.memory_space<vmem>>) semaphore(%arg18 : memref<!tpu.dma_semaphore, #tpu.memory_space<semaphore_mem>>) {add = true}
    %dma_start3A_298 = arith.constant 16 : i32
    %dma_start3A_299 = arith.constant 0 : i32
    %dma_start3A_300 = tpu.memref_slice %arg7[%dma_start3A_298, %dma_start3A_299] : memref<32x128xi32, #tpu.memory_space<vmem>> -> memref<1x128xi32, #tpu.memory_space<vmem>>
    %dma_start3A_301 = tpu.memref_squeeze %dma_start3A_300 : memref<1x128xi32, #tpu.memory_space<vmem>> -> memref<128xi32, #tpu.memory_space<vmem>>
    %dma_start3A_302 = arith.constant 0 : i32
    %dma_start3A_303 = tpu.memref_slice %arg14[%dma_start3A_302] : memref<1048576xf32, #tpu.memory_space<vmem_shared>> -> memref<1048576xf32, #tpu.memory_space<vmem_shared>>
    tpu.enqueue_indirect_dma source(%arg13 : memref<128xf32, #tpu.memory_space<vmem>>) target(%dma_start3A_303 : memref<1048576xf32, #tpu.memory_space<vmem_shared>>) offsets(%dma_start3A_301 : memref<128xi32, #tpu.memory_space<vmem>>) semaphore(%arg18 : memref<!tpu.dma_semaphore, #tpu.memory_space<semaphore_mem>>) {add = true}
    %dma_start3A_304 = arith.constant 17 : i32
    %dma_start3A_305 = arith.constant 0 : i32
    %dma_start3A_306 = tpu.memref_slice %arg7[%dma_start3A_304, %dma_start3A_305] : memref<32x128xi32, #tpu.memory_space<vmem>> -> memref<1x128xi32, #tpu.memory_space<vmem>>
    %dma_start3A_307 = tpu.memref_squeeze %dma_start3A_306 : memref<1x128xi32, #tpu.memory_space<vmem>> -> memref<128xi32, #tpu.memory_space<vmem>>
    %dma_start3A_308 = arith.constant 0 : i32
    %dma_start3A_309 = tpu.memref_slice %arg14[%dma_start3A_308] : memref<1048576xf32, #tpu.memory_space<vmem_shared>> -> memref<1048576xf32, #tpu.memory_space<vmem_shared>>
    tpu.enqueue_indirect_dma source(%arg13 : memref<128xf32, #tpu.memory_space<vmem>>) target(%dma_start3A_309 : memref<1048576xf32, #tpu.memory_space<vmem_shared>>) offsets(%dma_start3A_307 : memref<128xi32, #tpu.memory_space<vmem>>) semaphore(%arg18 : memref<!tpu.dma_semaphore, #tpu.memory_space<semaphore_mem>>) {add = true}
    %dma_start3A_310 = arith.constant 18 : i32
    %dma_start3A_311 = arith.constant 0 : i32
    %dma_start3A_312 = tpu.memref_slice %arg7[%dma_start3A_310, %dma_start3A_311] : memref<32x128xi32, #tpu.memory_space<vmem>> -> memref<1x128xi32, #tpu.memory_space<vmem>>
    %dma_start3A_313 = tpu.memref_squeeze %dma_start3A_312 : memref<1x128xi32, #tpu.memory_space<vmem>> -> memref<128xi32, #tpu.memory_space<vmem>>
    %dma_start3A_314 = arith.constant 0 : i32
    %dma_start3A_315 = tpu.memref_slice %arg14[%dma_start3A_314] : memref<1048576xf32, #tpu.memory_space<vmem_shared>> -> memref<1048576xf32, #tpu.memory_space<vmem_shared>>
    tpu.enqueue_indirect_dma source(%arg13 : memref<128xf32, #tpu.memory_space<vmem>>) target(%dma_start3A_315 : memref<1048576xf32, #tpu.memory_space<vmem_shared>>) offsets(%dma_start3A_313 : memref<128xi32, #tpu.memory_space<vmem>>) semaphore(%arg18 : memref<!tpu.dma_semaphore, #tpu.memory_space<semaphore_mem>>) {add = true}
    %dma_start3A_316 = arith.constant 19 : i32
    %dma_start3A_317 = arith.constant 0 : i32
    %dma_start3A_318 = tpu.memref_slice %arg7[%dma_start3A_316, %dma_start3A_317] : memref<32x128xi32, #tpu.memory_space<vmem>> -> memref<1x128xi32, #tpu.memory_space<vmem>>
    %dma_start3A_319 = tpu.memref_squeeze %dma_start3A_318 : memref<1x128xi32, #tpu.memory_space<vmem>> -> memref<128xi32, #tpu.memory_space<vmem>>
    %dma_start3A_320 = arith.constant 0 : i32
    %dma_start3A_321 = tpu.memref_slice %arg14[%dma_start3A_320] : memref<1048576xf32, #tpu.memory_space<vmem_shared>> -> memref<1048576xf32, #tpu.memory_space<vmem_shared>>
    tpu.enqueue_indirect_dma source(%arg13 : memref<128xf32, #tpu.memory_space<vmem>>) target(%dma_start3A_321 : memref<1048576xf32, #tpu.memory_space<vmem_shared>>) offsets(%dma_start3A_319 : memref<128xi32, #tpu.memory_space<vmem>>) semaphore(%arg18 : memref<!tpu.dma_semaphore, #tpu.memory_space<semaphore_mem>>) {add = true}
    %dma_start3A_322 = arith.constant 20 : i32
    %dma_start3A_323 = arith.constant 0 : i32
    %dma_start3A_324 = tpu.memref_slice %arg7[%dma_start3A_322, %dma_start3A_323] : memref<32x128xi32, #tpu.memory_space<vmem>> -> memref<1x128xi32, #tpu.memory_space<vmem>>
    %dma_start3A_325 = tpu.memref_squeeze %dma_start3A_324 : memref<1x128xi32, #tpu.memory_space<vmem>> -> memref<128xi32, #tpu.memory_space<vmem>>
    %dma_start3A_326 = arith.constant 0 : i32
    %dma_start3A_327 = tpu.memref_slice %arg14[%dma_start3A_326] : memref<1048576xf32, #tpu.memory_space<vmem_shared>> -> memref<1048576xf32, #tpu.memory_space<vmem_shared>>
    tpu.enqueue_indirect_dma source(%arg13 : memref<128xf32, #tpu.memory_space<vmem>>) target(%dma_start3A_327 : memref<1048576xf32, #tpu.memory_space<vmem_shared>>) offsets(%dma_start3A_325 : memref<128xi32, #tpu.memory_space<vmem>>) semaphore(%arg18 : memref<!tpu.dma_semaphore, #tpu.memory_space<semaphore_mem>>) {add = true}
    %dma_start3A_328 = arith.constant 21 : i32
    %dma_start3A_329 = arith.constant 0 : i32
    %dma_start3A_330 = tpu.memref_slice %arg7[%dma_start3A_328, %dma_start3A_329] : memref<32x128xi32, #tpu.memory_space<vmem>> -> memref<1x128xi32, #tpu.memory_space<vmem>>
    %dma_start3A_331 = tpu.memref_squeeze %dma_start3A_330 : memref<1x128xi32, #tpu.memory_space<vmem>> -> memref<128xi32, #tpu.memory_space<vmem>>
    %dma_start3A_332 = arith.constant 0 : i32
    %dma_start3A_333 = tpu.memref_slice %arg14[%dma_start3A_332] : memref<1048576xf32, #tpu.memory_space<vmem_shared>> -> memref<1048576xf32, #tpu.memory_space<vmem_shared>>
    tpu.enqueue_indirect_dma source(%arg13 : memref<128xf32, #tpu.memory_space<vmem>>) target(%dma_start3A_333 : memref<1048576xf32, #tpu.memory_space<vmem_shared>>) offsets(%dma_start3A_331 : memref<128xi32, #tpu.memory_space<vmem>>) semaphore(%arg18 : memref<!tpu.dma_semaphore, #tpu.memory_space<semaphore_mem>>) {add = true}
    %dma_start3A_334 = arith.constant 22 : i32
    %dma_start3A_335 = arith.constant 0 : i32
    %dma_start3A_336 = tpu.memref_slice %arg7[%dma_start3A_334, %dma_start3A_335] : memref<32x128xi32, #tpu.memory_space<vmem>> -> memref<1x128xi32, #tpu.memory_space<vmem>>
    %dma_start3A_337 = tpu.memref_squeeze %dma_start3A_336 : memref<1x128xi32, #tpu.memory_space<vmem>> -> memref<128xi32, #tpu.memory_space<vmem>>
    %dma_start3A_338 = arith.constant 0 : i32
    %dma_start3A_339 = tpu.memref_slice %arg14[%dma_start3A_338] : memref<1048576xf32, #tpu.memory_space<vmem_shared>> -> memref<1048576xf32, #tpu.memory_space<vmem_shared>>
    tpu.enqueue_indirect_dma source(%arg13 : memref<128xf32, #tpu.memory_space<vmem>>) target(%dma_start3A_339 : memref<1048576xf32, #tpu.memory_space<vmem_shared>>) offsets(%dma_start3A_337 : memref<128xi32, #tpu.memory_space<vmem>>) semaphore(%arg18 : memref<!tpu.dma_semaphore, #tpu.memory_space<semaphore_mem>>) {add = true}
    %dma_start3A_340 = arith.constant 23 : i32
    %dma_start3A_341 = arith.constant 0 : i32
    %dma_start3A_342 = tpu.memref_slice %arg7[%dma_start3A_340, %dma_start3A_341] : memref<32x128xi32, #tpu.memory_space<vmem>> -> memref<1x128xi32, #tpu.memory_space<vmem>>
    %dma_start3A_343 = tpu.memref_squeeze %dma_start3A_342 : memref<1x128xi32, #tpu.memory_space<vmem>> -> memref<128xi32, #tpu.memory_space<vmem>>
    %dma_start3A_344 = arith.constant 0 : i32
    %dma_start3A_345 = tpu.memref_slice %arg14[%dma_start3A_344] : memref<1048576xf32, #tpu.memory_space<vmem_shared>> -> memref<1048576xf32, #tpu.memory_space<vmem_shared>>
    tpu.enqueue_indirect_dma source(%arg13 : memref<128xf32, #tpu.memory_space<vmem>>) target(%dma_start3A_345 : memref<1048576xf32, #tpu.memory_space<vmem_shared>>) offsets(%dma_start3A_343 : memref<128xi32, #tpu.memory_space<vmem>>) semaphore(%arg18 : memref<!tpu.dma_semaphore, #tpu.memory_space<semaphore_mem>>) {add = true}
    %dma_start3A_346 = arith.constant 24 : i32
    %dma_start3A_347 = arith.constant 0 : i32
    %dma_start3A_348 = tpu.memref_slice %arg7[%dma_start3A_346, %dma_start3A_347] : memref<32x128xi32, #tpu.memory_space<vmem>> -> memref<1x128xi32, #tpu.memory_space<vmem>>
    %dma_start3A_349 = tpu.memref_squeeze %dma_start3A_348 : memref<1x128xi32, #tpu.memory_space<vmem>> -> memref<128xi32, #tpu.memory_space<vmem>>
    %dma_start3A_350 = arith.constant 0 : i32
    %dma_start3A_351 = tpu.memref_slice %arg14[%dma_start3A_350] : memref<1048576xf32, #tpu.memory_space<vmem_shared>> -> memref<1048576xf32, #tpu.memory_space<vmem_shared>>
    tpu.enqueue_indirect_dma source(%arg13 : memref<128xf32, #tpu.memory_space<vmem>>) target(%dma_start3A_351 : memref<1048576xf32, #tpu.memory_space<vmem_shared>>) offsets(%dma_start3A_349 : memref<128xi32, #tpu.memory_space<vmem>>) semaphore(%arg18 : memref<!tpu.dma_semaphore, #tpu.memory_space<semaphore_mem>>) {add = true}
    %dma_start3A_352 = arith.constant 25 : i32
    %dma_start3A_353 = arith.constant 0 : i32
    %dma_start3A_354 = tpu.memref_slice %arg7[%dma_start3A_352, %dma_start3A_353] : memref<32x128xi32, #tpu.memory_space<vmem>> -> memref<1x128xi32, #tpu.memory_space<vmem>>
    %dma_start3A_355 = tpu.memref_squeeze %dma_start3A_354 : memref<1x128xi32, #tpu.memory_space<vmem>> -> memref<128xi32, #tpu.memory_space<vmem>>
    %dma_start3A_356 = arith.constant 0 : i32
    %dma_start3A_357 = tpu.memref_slice %arg14[%dma_start3A_356] : memref<1048576xf32, #tpu.memory_space<vmem_shared>> -> memref<1048576xf32, #tpu.memory_space<vmem_shared>>
    tpu.enqueue_indirect_dma source(%arg13 : memref<128xf32, #tpu.memory_space<vmem>>) target(%dma_start3A_357 : memref<1048576xf32, #tpu.memory_space<vmem_shared>>) offsets(%dma_start3A_355 : memref<128xi32, #tpu.memory_space<vmem>>) semaphore(%arg18 : memref<!tpu.dma_semaphore, #tpu.memory_space<semaphore_mem>>) {add = true}
    %dma_start3A_358 = arith.constant 26 : i32
    %dma_start3A_359 = arith.constant 0 : i32
    %dma_start3A_360 = tpu.memref_slice %arg7[%dma_start3A_358, %dma_start3A_359] : memref<32x128xi32, #tpu.memory_space<vmem>> -> memref<1x128xi32, #tpu.memory_space<vmem>>
    %dma_start3A_361 = tpu.memref_squeeze %dma_start3A_360 : memref<1x128xi32, #tpu.memory_space<vmem>> -> memref<128xi32, #tpu.memory_space<vmem>>
    %dma_start3A_362 = arith.constant 0 : i32
    %dma_start3A_363 = tpu.memref_slice %arg14[%dma_start3A_362] : memref<1048576xf32, #tpu.memory_space<vmem_shared>> -> memref<1048576xf32, #tpu.memory_space<vmem_shared>>
    tpu.enqueue_indirect_dma source(%arg13 : memref<128xf32, #tpu.memory_space<vmem>>) target(%dma_start3A_363 : memref<1048576xf32, #tpu.memory_space<vmem_shared>>) offsets(%dma_start3A_361 : memref<128xi32, #tpu.memory_space<vmem>>) semaphore(%arg18 : memref<!tpu.dma_semaphore, #tpu.memory_space<semaphore_mem>>) {add = true}
    %dma_start3A_364 = arith.constant 27 : i32
    %dma_start3A_365 = arith.constant 0 : i32
    %dma_start3A_366 = tpu.memref_slice %arg7[%dma_start3A_364, %dma_start3A_365] : memref<32x128xi32, #tpu.memory_space<vmem>> -> memref<1x128xi32, #tpu.memory_space<vmem>>
    %dma_start3A_367 = tpu.memref_squeeze %dma_start3A_366 : memref<1x128xi32, #tpu.memory_space<vmem>> -> memref<128xi32, #tpu.memory_space<vmem>>
    %dma_start3A_368 = arith.constant 0 : i32
    %dma_start3A_369 = tpu.memref_slice %arg14[%dma_start3A_368] : memref<1048576xf32, #tpu.memory_space<vmem_shared>> -> memref<1048576xf32, #tpu.memory_space<vmem_shared>>
    tpu.enqueue_indirect_dma source(%arg13 : memref<128xf32, #tpu.memory_space<vmem>>) target(%dma_start3A_369 : memref<1048576xf32, #tpu.memory_space<vmem_shared>>) offsets(%dma_start3A_367 : memref<128xi32, #tpu.memory_space<vmem>>) semaphore(%arg18 : memref<!tpu.dma_semaphore, #tpu.memory_space<semaphore_mem>>) {add = true}
    %dma_start3A_370 = arith.constant 28 : i32
    %dma_start3A_371 = arith.constant 0 : i32
    %dma_start3A_372 = tpu.memref_slice %arg7[%dma_start3A_370, %dma_start3A_371] : memref<32x128xi32, #tpu.memory_space<vmem>> -> memref<1x128xi32, #tpu.memory_space<vmem>>
    %dma_start3A_373 = tpu.memref_squeeze %dma_start3A_372 : memref<1x128xi32, #tpu.memory_space<vmem>> -> memref<128xi32, #tpu.memory_space<vmem>>
    %dma_start3A_374 = arith.constant 0 : i32
    %dma_start3A_375 = tpu.memref_slice %arg14[%dma_start3A_374] : memref<1048576xf32, #tpu.memory_space<vmem_shared>> -> memref<1048576xf32, #tpu.memory_space<vmem_shared>>
    tpu.enqueue_indirect_dma source(%arg13 : memref<128xf32, #tpu.memory_space<vmem>>) target(%dma_start3A_375 : memref<1048576xf32, #tpu.memory_space<vmem_shared>>) offsets(%dma_start3A_373 : memref<128xi32, #tpu.memory_space<vmem>>) semaphore(%arg18 : memref<!tpu.dma_semaphore, #tpu.memory_space<semaphore_mem>>) {add = true}
    %dma_start3A_376 = arith.constant 29 : i32
    %dma_start3A_377 = arith.constant 0 : i32
    %dma_start3A_378 = tpu.memref_slice %arg7[%dma_start3A_376, %dma_start3A_377] : memref<32x128xi32, #tpu.memory_space<vmem>> -> memref<1x128xi32, #tpu.memory_space<vmem>>
    %dma_start3A_379 = tpu.memref_squeeze %dma_start3A_378 : memref<1x128xi32, #tpu.memory_space<vmem>> -> memref<128xi32, #tpu.memory_space<vmem>>
    %dma_start3A_380 = arith.constant 0 : i32
    %dma_start3A_381 = tpu.memref_slice %arg14[%dma_start3A_380] : memref<1048576xf32, #tpu.memory_space<vmem_shared>> -> memref<1048576xf32, #tpu.memory_space<vmem_shared>>
    tpu.enqueue_indirect_dma source(%arg13 : memref<128xf32, #tpu.memory_space<vmem>>) target(%dma_start3A_381 : memref<1048576xf32, #tpu.memory_space<vmem_shared>>) offsets(%dma_start3A_379 : memref<128xi32, #tpu.memory_space<vmem>>) semaphore(%arg18 : memref<!tpu.dma_semaphore, #tpu.memory_space<semaphore_mem>>) {add = true}
    %dma_start3A_382 = arith.constant 30 : i32
    %dma_start3A_383 = arith.constant 0 : i32
    %dma_start3A_384 = tpu.memref_slice %arg7[%dma_start3A_382, %dma_start3A_383] : memref<32x128xi32, #tpu.memory_space<vmem>> -> memref<1x128xi32, #tpu.memory_space<vmem>>
    %dma_start3A_385 = tpu.memref_squeeze %dma_start3A_384 : memref<1x128xi32, #tpu.memory_space<vmem>> -> memref<128xi32, #tpu.memory_space<vmem>>
    %dma_start3A_386 = arith.constant 0 : i32
    %dma_start3A_387 = tpu.memref_slice %arg14[%dma_start3A_386] : memref<1048576xf32, #tpu.memory_space<vmem_shared>> -> memref<1048576xf32, #tpu.memory_space<vmem_shared>>
    tpu.enqueue_indirect_dma source(%arg13 : memref<128xf32, #tpu.memory_space<vmem>>) target(%dma_start3A_387 : memref<1048576xf32, #tpu.memory_space<vmem_shared>>) offsets(%dma_start3A_385 : memref<128xi32, #tpu.memory_space<vmem>>) semaphore(%arg18 : memref<!tpu.dma_semaphore, #tpu.memory_space<semaphore_mem>>) {add = true}
    %dma_start3A_388 = arith.constant 31 : i32
    %dma_start3A_389 = arith.constant 0 : i32
    %dma_start3A_390 = tpu.memref_slice %arg7[%dma_start3A_388, %dma_start3A_389] : memref<32x128xi32, #tpu.memory_space<vmem>> -> memref<1x128xi32, #tpu.memory_space<vmem>>
    %dma_start3A_391 = tpu.memref_squeeze %dma_start3A_390 : memref<1x128xi32, #tpu.memory_space<vmem>> -> memref<128xi32, #tpu.memory_space<vmem>>
    %dma_start3A_392 = arith.constant 0 : i32
    %dma_start3A_393 = tpu.memref_slice %arg14[%dma_start3A_392] : memref<1048576xf32, #tpu.memory_space<vmem_shared>> -> memref<1048576xf32, #tpu.memory_space<vmem_shared>>
    tpu.enqueue_indirect_dma source(%arg13 : memref<128xf32, #tpu.memory_space<vmem>>) target(%dma_start3A_393 : memref<1048576xf32, #tpu.memory_space<vmem_shared>>) offsets(%dma_start3A_391 : memref<128xi32, #tpu.memory_space<vmem>>) semaphore(%arg18 : memref<!tpu.dma_semaphore, #tpu.memory_space<semaphore_mem>>) {add = true}
    %dma_wait3A_394 = arith.constant 0 : i32
    %dma_wait3A_395 = arith.constant 0 : i32
    %dma_wait3A_396 = tpu.memref_slice %arg7[%dma_wait3A_394, %dma_wait3A_395] : memref<32x128xi32, #tpu.memory_space<vmem>> -> memref<1x128xi32, #tpu.memory_space<vmem>>
    %dma_wait3A_397 = tpu.memref_squeeze %dma_wait3A_396 : memref<1x128xi32, #tpu.memory_space<vmem>> -> memref<128xi32, #tpu.memory_space<vmem>>
    %dma_wait3A_398 = arith.constant 0 : i32
    %dma_wait3A_399 = tpu.memref_slice %arg14[%dma_wait3A_398] : memref<1048576xf32, #tpu.memory_space<vmem_shared>> -> memref<1048576xf32, #tpu.memory_space<vmem_shared>>
    tpu.wait_indirect_dma semaphore(%arg18 : memref<!tpu.dma_semaphore, #tpu.memory_space<semaphore_mem>>) src(%arg13 : memref<128xf32, #tpu.memory_space<vmem>>) dst(%dma_wait3A_399 : memref<1048576xf32, #tpu.memory_space<vmem_shared>>)
    %dma_wait3A_400 = arith.constant 1 : i32
    %dma_wait3A_401 = arith.constant 0 : i32
    %dma_wait3A_402 = tpu.memref_slice %arg7[%dma_wait3A_400, %dma_wait3A_401] : memref<32x128xi32, #tpu.memory_space<vmem>> -> memref<1x128xi32, #tpu.memory_space<vmem>>
    %dma_wait3A_403 = tpu.memref_squeeze %dma_wait3A_402 : memref<1x128xi32, #tpu.memory_space<vmem>> -> memref<128xi32, #tpu.memory_space<vmem>>
    %dma_wait3A_404 = arith.constant 0 : i32
    %dma_wait3A_405 = tpu.memref_slice %arg14[%dma_wait3A_404] : memref<1048576xf32, #tpu.memory_space<vmem_shared>> -> memref<1048576xf32, #tpu.memory_space<vmem_shared>>
    tpu.wait_indirect_dma semaphore(%arg18 : memref<!tpu.dma_semaphore, #tpu.memory_space<semaphore_mem>>) src(%arg13 : memref<128xf32, #tpu.memory_space<vmem>>) dst(%dma_wait3A_405 : memref<1048576xf32, #tpu.memory_space<vmem_shared>>)
    %dma_wait3A_406 = arith.constant 2 : i32
    %dma_wait3A_407 = arith.constant 0 : i32
    %dma_wait3A_408 = tpu.memref_slice %arg7[%dma_wait3A_406, %dma_wait3A_407] : memref<32x128xi32, #tpu.memory_space<vmem>> -> memref<1x128xi32, #tpu.memory_space<vmem>>
    %dma_wait3A_409 = tpu.memref_squeeze %dma_wait3A_408 : memref<1x128xi32, #tpu.memory_space<vmem>> -> memref<128xi32, #tpu.memory_space<vmem>>
    %dma_wait3A_410 = arith.constant 0 : i32
    %dma_wait3A_411 = tpu.memref_slice %arg14[%dma_wait3A_410] : memref<1048576xf32, #tpu.memory_space<vmem_shared>> -> memref<1048576xf32, #tpu.memory_space<vmem_shared>>
    tpu.wait_indirect_dma semaphore(%arg18 : memref<!tpu.dma_semaphore, #tpu.memory_space<semaphore_mem>>) src(%arg13 : memref<128xf32, #tpu.memory_space<vmem>>) dst(%dma_wait3A_411 : memref<1048576xf32, #tpu.memory_space<vmem_shared>>)
    %dma_wait3A_412 = arith.constant 3 : i32
    %dma_wait3A_413 = arith.constant 0 : i32
    %dma_wait3A_414 = tpu.memref_slice %arg7[%dma_wait3A_412, %dma_wait3A_413] : memref<32x128xi32, #tpu.memory_space<vmem>> -> memref<1x128xi32, #tpu.memory_space<vmem>>
    %dma_wait3A_415 = tpu.memref_squeeze %dma_wait3A_414 : memref<1x128xi32, #tpu.memory_space<vmem>> -> memref<128xi32, #tpu.memory_space<vmem>>
    %dma_wait3A_416 = arith.constant 0 : i32
    %dma_wait3A_417 = tpu.memref_slice %arg14[%dma_wait3A_416] : memref<1048576xf32, #tpu.memory_space<vmem_shared>> -> memref<1048576xf32, #tpu.memory_space<vmem_shared>>
    tpu.wait_indirect_dma semaphore(%arg18 : memref<!tpu.dma_semaphore, #tpu.memory_space<semaphore_mem>>) src(%arg13 : memref<128xf32, #tpu.memory_space<vmem>>) dst(%dma_wait3A_417 : memref<1048576xf32, #tpu.memory_space<vmem_shared>>)
    %dma_wait3A_418 = arith.constant 4 : i32
    %dma_wait3A_419 = arith.constant 0 : i32
    %dma_wait3A_420 = tpu.memref_slice %arg7[%dma_wait3A_418, %dma_wait3A_419] : memref<32x128xi32, #tpu.memory_space<vmem>> -> memref<1x128xi32, #tpu.memory_space<vmem>>
    %dma_wait3A_421 = tpu.memref_squeeze %dma_wait3A_420 : memref<1x128xi32, #tpu.memory_space<vmem>> -> memref<128xi32, #tpu.memory_space<vmem>>
    %dma_wait3A_422 = arith.constant 0 : i32
    %dma_wait3A_423 = tpu.memref_slice %arg14[%dma_wait3A_422] : memref<1048576xf32, #tpu.memory_space<vmem_shared>> -> memref<1048576xf32, #tpu.memory_space<vmem_shared>>
    tpu.wait_indirect_dma semaphore(%arg18 : memref<!tpu.dma_semaphore, #tpu.memory_space<semaphore_mem>>) src(%arg13 : memref<128xf32, #tpu.memory_space<vmem>>) dst(%dma_wait3A_423 : memref<1048576xf32, #tpu.memory_space<vmem_shared>>)
    %dma_wait3A_424 = arith.constant 5 : i32
    %dma_wait3A_425 = arith.constant 0 : i32
    %dma_wait3A_426 = tpu.memref_slice %arg7[%dma_wait3A_424, %dma_wait3A_425] : memref<32x128xi32, #tpu.memory_space<vmem>> -> memref<1x128xi32, #tpu.memory_space<vmem>>
    %dma_wait3A_427 = tpu.memref_squeeze %dma_wait3A_426 : memref<1x128xi32, #tpu.memory_space<vmem>> -> memref<128xi32, #tpu.memory_space<vmem>>
    %dma_wait3A_428 = arith.constant 0 : i32
    %dma_wait3A_429 = tpu.memref_slice %arg14[%dma_wait3A_428] : memref<1048576xf32, #tpu.memory_space<vmem_shared>> -> memref<1048576xf32, #tpu.memory_space<vmem_shared>>
    tpu.wait_indirect_dma semaphore(%arg18 : memref<!tpu.dma_semaphore, #tpu.memory_space<semaphore_mem>>) src(%arg13 : memref<128xf32, #tpu.memory_space<vmem>>) dst(%dma_wait3A_429 : memref<1048576xf32, #tpu.memory_space<vmem_shared>>)
    %dma_wait3A_430 = arith.constant 6 : i32
    %dma_wait3A_431 = arith.constant 0 : i32
    %dma_wait3A_432 = tpu.memref_slice %arg7[%dma_wait3A_430, %dma_wait3A_431] : memref<32x128xi32, #tpu.memory_space<vmem>> -> memref<1x128xi32, #tpu.memory_space<vmem>>
    %dma_wait3A_433 = tpu.memref_squeeze %dma_wait3A_432 : memref<1x128xi32, #tpu.memory_space<vmem>> -> memref<128xi32, #tpu.memory_space<vmem>>
    %dma_wait3A_434 = arith.constant 0 : i32
    %dma_wait3A_435 = tpu.memref_slice %arg14[%dma_wait3A_434] : memref<1048576xf32, #tpu.memory_space<vmem_shared>> -> memref<1048576xf32, #tpu.memory_space<vmem_shared>>
    tpu.wait_indirect_dma semaphore(%arg18 : memref<!tpu.dma_semaphore, #tpu.memory_space<semaphore_mem>>) src(%arg13 : memref<128xf32, #tpu.memory_space<vmem>>) dst(%dma_wait3A_435 : memref<1048576xf32, #tpu.memory_space<vmem_shared>>)
    %dma_wait3A_436 = arith.constant 7 : i32
    %dma_wait3A_437 = arith.constant 0 : i32
    %dma_wait3A_438 = tpu.memref_slice %arg7[%dma_wait3A_436, %dma_wait3A_437] : memref<32x128xi32, #tpu.memory_space<vmem>> -> memref<1x128xi32, #tpu.memory_space<vmem>>
    %dma_wait3A_439 = tpu.memref_squeeze %dma_wait3A_438 : memref<1x128xi32, #tpu.memory_space<vmem>> -> memref<128xi32, #tpu.memory_space<vmem>>
    %dma_wait3A_440 = arith.constant 0 : i32
    %dma_wait3A_441 = tpu.memref_slice %arg14[%dma_wait3A_440] : memref<1048576xf32, #tpu.memory_space<vmem_shared>> -> memref<1048576xf32, #tpu.memory_space<vmem_shared>>
    tpu.wait_indirect_dma semaphore(%arg18 : memref<!tpu.dma_semaphore, #tpu.memory_space<semaphore_mem>>) src(%arg13 : memref<128xf32, #tpu.memory_space<vmem>>) dst(%dma_wait3A_441 : memref<1048576xf32, #tpu.memory_space<vmem_shared>>)
    %dma_wait3A_442 = arith.constant 8 : i32
    %dma_wait3A_443 = arith.constant 0 : i32
    %dma_wait3A_444 = tpu.memref_slice %arg7[%dma_wait3A_442, %dma_wait3A_443] : memref<32x128xi32, #tpu.memory_space<vmem>> -> memref<1x128xi32, #tpu.memory_space<vmem>>
    %dma_wait3A_445 = tpu.memref_squeeze %dma_wait3A_444 : memref<1x128xi32, #tpu.memory_space<vmem>> -> memref<128xi32, #tpu.memory_space<vmem>>
    %dma_wait3A_446 = arith.constant 0 : i32
    %dma_wait3A_447 = tpu.memref_slice %arg14[%dma_wait3A_446] : memref<1048576xf32, #tpu.memory_space<vmem_shared>> -> memref<1048576xf32, #tpu.memory_space<vmem_shared>>
    tpu.wait_indirect_dma semaphore(%arg18 : memref<!tpu.dma_semaphore, #tpu.memory_space<semaphore_mem>>) src(%arg13 : memref<128xf32, #tpu.memory_space<vmem>>) dst(%dma_wait3A_447 : memref<1048576xf32, #tpu.memory_space<vmem_shared>>)
    %dma_wait3A_448 = arith.constant 9 : i32
    %dma_wait3A_449 = arith.constant 0 : i32
    %dma_wait3A_450 = tpu.memref_slice %arg7[%dma_wait3A_448, %dma_wait3A_449] : memref<32x128xi32, #tpu.memory_space<vmem>> -> memref<1x128xi32, #tpu.memory_space<vmem>>
    %dma_wait3A_451 = tpu.memref_squeeze %dma_wait3A_450 : memref<1x128xi32, #tpu.memory_space<vmem>> -> memref<128xi32, #tpu.memory_space<vmem>>
    %dma_wait3A_452 = arith.constant 0 : i32
    %dma_wait3A_453 = tpu.memref_slice %arg14[%dma_wait3A_452] : memref<1048576xf32, #tpu.memory_space<vmem_shared>> -> memref<1048576xf32, #tpu.memory_space<vmem_shared>>
    tpu.wait_indirect_dma semaphore(%arg18 : memref<!tpu.dma_semaphore, #tpu.memory_space<semaphore_mem>>) src(%arg13 : memref<128xf32, #tpu.memory_space<vmem>>) dst(%dma_wait3A_453 : memref<1048576xf32, #tpu.memory_space<vmem_shared>>)
    %dma_wait3A_454 = arith.constant 10 : i32
    %dma_wait3A_455 = arith.constant 0 : i32
    %dma_wait3A_456 = tpu.memref_slice %arg7[%dma_wait3A_454, %dma_wait3A_455] : memref<32x128xi32, #tpu.memory_space<vmem>> -> memref<1x128xi32, #tpu.memory_space<vmem>>
    %dma_wait3A_457 = tpu.memref_squeeze %dma_wait3A_456 : memref<1x128xi32, #tpu.memory_space<vmem>> -> memref<128xi32, #tpu.memory_space<vmem>>
    %dma_wait3A_458 = arith.constant 0 : i32
    %dma_wait3A_459 = tpu.memref_slice %arg14[%dma_wait3A_458] : memref<1048576xf32, #tpu.memory_space<vmem_shared>> -> memref<1048576xf32, #tpu.memory_space<vmem_shared>>
    tpu.wait_indirect_dma semaphore(%arg18 : memref<!tpu.dma_semaphore, #tpu.memory_space<semaphore_mem>>) src(%arg13 : memref<128xf32, #tpu.memory_space<vmem>>) dst(%dma_wait3A_459 : memref<1048576xf32, #tpu.memory_space<vmem_shared>>)
    %dma_wait3A_460 = arith.constant 11 : i32
    %dma_wait3A_461 = arith.constant 0 : i32
    %dma_wait3A_462 = tpu.memref_slice %arg7[%dma_wait3A_460, %dma_wait3A_461] : memref<32x128xi32, #tpu.memory_space<vmem>> -> memref<1x128xi32, #tpu.memory_space<vmem>>
    %dma_wait3A_463 = tpu.memref_squeeze %dma_wait3A_462 : memref<1x128xi32, #tpu.memory_space<vmem>> -> memref<128xi32, #tpu.memory_space<vmem>>
    %dma_wait3A_464 = arith.constant 0 : i32
    %dma_wait3A_465 = tpu.memref_slice %arg14[%dma_wait3A_464] : memref<1048576xf32, #tpu.memory_space<vmem_shared>> -> memref<1048576xf32, #tpu.memory_space<vmem_shared>>
    tpu.wait_indirect_dma semaphore(%arg18 : memref<!tpu.dma_semaphore, #tpu.memory_space<semaphore_mem>>) src(%arg13 : memref<128xf32, #tpu.memory_space<vmem>>) dst(%dma_wait3A_465 : memref<1048576xf32, #tpu.memory_space<vmem_shared>>)
    %dma_wait3A_466 = arith.constant 12 : i32
    %dma_wait3A_467 = arith.constant 0 : i32
    %dma_wait3A_468 = tpu.memref_slice %arg7[%dma_wait3A_466, %dma_wait3A_467] : memref<32x128xi32, #tpu.memory_space<vmem>> -> memref<1x128xi32, #tpu.memory_space<vmem>>
    %dma_wait3A_469 = tpu.memref_squeeze %dma_wait3A_468 : memref<1x128xi32, #tpu.memory_space<vmem>> -> memref<128xi32, #tpu.memory_space<vmem>>
    %dma_wait3A_470 = arith.constant 0 : i32
    %dma_wait3A_471 = tpu.memref_slice %arg14[%dma_wait3A_470] : memref<1048576xf32, #tpu.memory_space<vmem_shared>> -> memref<1048576xf32, #tpu.memory_space<vmem_shared>>
    tpu.wait_indirect_dma semaphore(%arg18 : memref<!tpu.dma_semaphore, #tpu.memory_space<semaphore_mem>>) src(%arg13 : memref<128xf32, #tpu.memory_space<vmem>>) dst(%dma_wait3A_471 : memref<1048576xf32, #tpu.memory_space<vmem_shared>>)
    %dma_wait3A_472 = arith.constant 13 : i32
    %dma_wait3A_473 = arith.constant 0 : i32
    %dma_wait3A_474 = tpu.memref_slice %arg7[%dma_wait3A_472, %dma_wait3A_473] : memref<32x128xi32, #tpu.memory_space<vmem>> -> memref<1x128xi32, #tpu.memory_space<vmem>>
    %dma_wait3A_475 = tpu.memref_squeeze %dma_wait3A_474 : memref<1x128xi32, #tpu.memory_space<vmem>> -> memref<128xi32, #tpu.memory_space<vmem>>
    %dma_wait3A_476 = arith.constant 0 : i32
    %dma_wait3A_477 = tpu.memref_slice %arg14[%dma_wait3A_476] : memref<1048576xf32, #tpu.memory_space<vmem_shared>> -> memref<1048576xf32, #tpu.memory_space<vmem_shared>>
    tpu.wait_indirect_dma semaphore(%arg18 : memref<!tpu.dma_semaphore, #tpu.memory_space<semaphore_mem>>) src(%arg13 : memref<128xf32, #tpu.memory_space<vmem>>) dst(%dma_wait3A_477 : memref<1048576xf32, #tpu.memory_space<vmem_shared>>)
    %dma_wait3A_478 = arith.constant 14 : i32
    %dma_wait3A_479 = arith.constant 0 : i32
    %dma_wait3A_480 = tpu.memref_slice %arg7[%dma_wait3A_478, %dma_wait3A_479] : memref<32x128xi32, #tpu.memory_space<vmem>> -> memref<1x128xi32, #tpu.memory_space<vmem>>
    %dma_wait3A_481 = tpu.memref_squeeze %dma_wait3A_480 : memref<1x128xi32, #tpu.memory_space<vmem>> -> memref<128xi32, #tpu.memory_space<vmem>>
    %dma_wait3A_482 = arith.constant 0 : i32
    %dma_wait3A_483 = tpu.memref_slice %arg14[%dma_wait3A_482] : memref<1048576xf32, #tpu.memory_space<vmem_shared>> -> memref<1048576xf32, #tpu.memory_space<vmem_shared>>
    tpu.wait_indirect_dma semaphore(%arg18 : memref<!tpu.dma_semaphore, #tpu.memory_space<semaphore_mem>>) src(%arg13 : memref<128xf32, #tpu.memory_space<vmem>>) dst(%dma_wait3A_483 : memref<1048576xf32, #tpu.memory_space<vmem_shared>>)
    %dma_wait3A_484 = arith.constant 15 : i32
    %dma_wait3A_485 = arith.constant 0 : i32
    %dma_wait3A_486 = tpu.memref_slice %arg7[%dma_wait3A_484, %dma_wait3A_485] : memref<32x128xi32, #tpu.memory_space<vmem>> -> memref<1x128xi32, #tpu.memory_space<vmem>>
    %dma_wait3A_487 = tpu.memref_squeeze %dma_wait3A_486 : memref<1x128xi32, #tpu.memory_space<vmem>> -> memref<128xi32, #tpu.memory_space<vmem>>
    %dma_wait3A_488 = arith.constant 0 : i32
    %dma_wait3A_489 = tpu.memref_slice %arg14[%dma_wait3A_488] : memref<1048576xf32, #tpu.memory_space<vmem_shared>> -> memref<1048576xf32, #tpu.memory_space<vmem_shared>>
    tpu.wait_indirect_dma semaphore(%arg18 : memref<!tpu.dma_semaphore, #tpu.memory_space<semaphore_mem>>) src(%arg13 : memref<128xf32, #tpu.memory_space<vmem>>) dst(%dma_wait3A_489 : memref<1048576xf32, #tpu.memory_space<vmem_shared>>)
    %dma_wait3A_490 = arith.constant 16 : i32
    %dma_wait3A_491 = arith.constant 0 : i32
    %dma_wait3A_492 = tpu.memref_slice %arg7[%dma_wait3A_490, %dma_wait3A_491] : memref<32x128xi32, #tpu.memory_space<vmem>> -> memref<1x128xi32, #tpu.memory_space<vmem>>
    %dma_wait3A_493 = tpu.memref_squeeze %dma_wait3A_492 : memref<1x128xi32, #tpu.memory_space<vmem>> -> memref<128xi32, #tpu.memory_space<vmem>>
    %dma_wait3A_494 = arith.constant 0 : i32
    %dma_wait3A_495 = tpu.memref_slice %arg14[%dma_wait3A_494] : memref<1048576xf32, #tpu.memory_space<vmem_shared>> -> memref<1048576xf32, #tpu.memory_space<vmem_shared>>
    tpu.wait_indirect_dma semaphore(%arg18 : memref<!tpu.dma_semaphore, #tpu.memory_space<semaphore_mem>>) src(%arg13 : memref<128xf32, #tpu.memory_space<vmem>>) dst(%dma_wait3A_495 : memref<1048576xf32, #tpu.memory_space<vmem_shared>>)
    %dma_wait3A_496 = arith.constant 17 : i32
    %dma_wait3A_497 = arith.constant 0 : i32
    %dma_wait3A_498 = tpu.memref_slice %arg7[%dma_wait3A_496, %dma_wait3A_497] : memref<32x128xi32, #tpu.memory_space<vmem>> -> memref<1x128xi32, #tpu.memory_space<vmem>>
    %dma_wait3A_499 = tpu.memref_squeeze %dma_wait3A_498 : memref<1x128xi32, #tpu.memory_space<vmem>> -> memref<128xi32, #tpu.memory_space<vmem>>
    %dma_wait3A_500 = arith.constant 0 : i32
    %dma_wait3A_501 = tpu.memref_slice %arg14[%dma_wait3A_500] : memref<1048576xf32, #tpu.memory_space<vmem_shared>> -> memref<1048576xf32, #tpu.memory_space<vmem_shared>>
    tpu.wait_indirect_dma semaphore(%arg18 : memref<!tpu.dma_semaphore, #tpu.memory_space<semaphore_mem>>) src(%arg13 : memref<128xf32, #tpu.memory_space<vmem>>) dst(%dma_wait3A_501 : memref<1048576xf32, #tpu.memory_space<vmem_shared>>)
    %dma_wait3A_502 = arith.constant 18 : i32
    %dma_wait3A_503 = arith.constant 0 : i32
    %dma_wait3A_504 = tpu.memref_slice %arg7[%dma_wait3A_502, %dma_wait3A_503] : memref<32x128xi32, #tpu.memory_space<vmem>> -> memref<1x128xi32, #tpu.memory_space<vmem>>
    %dma_wait3A_505 = tpu.memref_squeeze %dma_wait3A_504 : memref<1x128xi32, #tpu.memory_space<vmem>> -> memref<128xi32, #tpu.memory_space<vmem>>
    %dma_wait3A_506 = arith.constant 0 : i32
    %dma_wait3A_507 = tpu.memref_slice %arg14[%dma_wait3A_506] : memref<1048576xf32, #tpu.memory_space<vmem_shared>> -> memref<1048576xf32, #tpu.memory_space<vmem_shared>>
    tpu.wait_indirect_dma semaphore(%arg18 : memref<!tpu.dma_semaphore, #tpu.memory_space<semaphore_mem>>) src(%arg13 : memref<128xf32, #tpu.memory_space<vmem>>) dst(%dma_wait3A_507 : memref<1048576xf32, #tpu.memory_space<vmem_shared>>)
    %dma_wait3A_508 = arith.constant 19 : i32
    %dma_wait3A_509 = arith.constant 0 : i32
    %dma_wait3A_510 = tpu.memref_slice %arg7[%dma_wait3A_508, %dma_wait3A_509] : memref<32x128xi32, #tpu.memory_space<vmem>> -> memref<1x128xi32, #tpu.memory_space<vmem>>
    %dma_wait3A_511 = tpu.memref_squeeze %dma_wait3A_510 : memref<1x128xi32, #tpu.memory_space<vmem>> -> memref<128xi32, #tpu.memory_space<vmem>>
    %dma_wait3A_512 = arith.constant 0 : i32
    %dma_wait3A_513 = tpu.memref_slice %arg14[%dma_wait3A_512] : memref<1048576xf32, #tpu.memory_space<vmem_shared>> -> memref<1048576xf32, #tpu.memory_space<vmem_shared>>
    tpu.wait_indirect_dma semaphore(%arg18 : memref<!tpu.dma_semaphore, #tpu.memory_space<semaphore_mem>>) src(%arg13 : memref<128xf32, #tpu.memory_space<vmem>>) dst(%dma_wait3A_513 : memref<1048576xf32, #tpu.memory_space<vmem_shared>>)
    %dma_wait3A_514 = arith.constant 20 : i32
    %dma_wait3A_515 = arith.constant 0 : i32
    %dma_wait3A_516 = tpu.memref_slice %arg7[%dma_wait3A_514, %dma_wait3A_515] : memref<32x128xi32, #tpu.memory_space<vmem>> -> memref<1x128xi32, #tpu.memory_space<vmem>>
    %dma_wait3A_517 = tpu.memref_squeeze %dma_wait3A_516 : memref<1x128xi32, #tpu.memory_space<vmem>> -> memref<128xi32, #tpu.memory_space<vmem>>
    %dma_wait3A_518 = arith.constant 0 : i32
    %dma_wait3A_519 = tpu.memref_slice %arg14[%dma_wait3A_518] : memref<1048576xf32, #tpu.memory_space<vmem_shared>> -> memref<1048576xf32, #tpu.memory_space<vmem_shared>>
    tpu.wait_indirect_dma semaphore(%arg18 : memref<!tpu.dma_semaphore, #tpu.memory_space<semaphore_mem>>) src(%arg13 : memref<128xf32, #tpu.memory_space<vmem>>) dst(%dma_wait3A_519 : memref<1048576xf32, #tpu.memory_space<vmem_shared>>)
    %dma_wait3A_520 = arith.constant 21 : i32
    %dma_wait3A_521 = arith.constant 0 : i32
    %dma_wait3A_522 = tpu.memref_slice %arg7[%dma_wait3A_520, %dma_wait3A_521] : memref<32x128xi32, #tpu.memory_space<vmem>> -> memref<1x128xi32, #tpu.memory_space<vmem>>
    %dma_wait3A_523 = tpu.memref_squeeze %dma_wait3A_522 : memref<1x128xi32, #tpu.memory_space<vmem>> -> memref<128xi32, #tpu.memory_space<vmem>>
    %dma_wait3A_524 = arith.constant 0 : i32
    %dma_wait3A_525 = tpu.memref_slice %arg14[%dma_wait3A_524] : memref<1048576xf32, #tpu.memory_space<vmem_shared>> -> memref<1048576xf32, #tpu.memory_space<vmem_shared>>
    tpu.wait_indirect_dma semaphore(%arg18 : memref<!tpu.dma_semaphore, #tpu.memory_space<semaphore_mem>>) src(%arg13 : memref<128xf32, #tpu.memory_space<vmem>>) dst(%dma_wait3A_525 : memref<1048576xf32, #tpu.memory_space<vmem_shared>>)
    %dma_wait3A_526 = arith.constant 22 : i32
    %dma_wait3A_527 = arith.constant 0 : i32
    %dma_wait3A_528 = tpu.memref_slice %arg7[%dma_wait3A_526, %dma_wait3A_527] : memref<32x128xi32, #tpu.memory_space<vmem>> -> memref<1x128xi32, #tpu.memory_space<vmem>>
    %dma_wait3A_529 = tpu.memref_squeeze %dma_wait3A_528 : memref<1x128xi32, #tpu.memory_space<vmem>> -> memref<128xi32, #tpu.memory_space<vmem>>
    %dma_wait3A_530 = arith.constant 0 : i32
    %dma_wait3A_531 = tpu.memref_slice %arg14[%dma_wait3A_530] : memref<1048576xf32, #tpu.memory_space<vmem_shared>> -> memref<1048576xf32, #tpu.memory_space<vmem_shared>>
    tpu.wait_indirect_dma semaphore(%arg18 : memref<!tpu.dma_semaphore, #tpu.memory_space<semaphore_mem>>) src(%arg13 : memref<128xf32, #tpu.memory_space<vmem>>) dst(%dma_wait3A_531 : memref<1048576xf32, #tpu.memory_space<vmem_shared>>)
    %dma_wait3A_532 = arith.constant 23 : i32
    %dma_wait3A_533 = arith.constant 0 : i32
    %dma_wait3A_534 = tpu.memref_slice %arg7[%dma_wait3A_532, %dma_wait3A_533] : memref<32x128xi32, #tpu.memory_space<vmem>> -> memref<1x128xi32, #tpu.memory_space<vmem>>
    %dma_wait3A_535 = tpu.memref_squeeze %dma_wait3A_534 : memref<1x128xi32, #tpu.memory_space<vmem>> -> memref<128xi32, #tpu.memory_space<vmem>>
    %dma_wait3A_536 = arith.constant 0 : i32
    %dma_wait3A_537 = tpu.memref_slice %arg14[%dma_wait3A_536] : memref<1048576xf32, #tpu.memory_space<vmem_shared>> -> memref<1048576xf32, #tpu.memory_space<vmem_shared>>
    tpu.wait_indirect_dma semaphore(%arg18 : memref<!tpu.dma_semaphore, #tpu.memory_space<semaphore_mem>>) src(%arg13 : memref<128xf32, #tpu.memory_space<vmem>>) dst(%dma_wait3A_537 : memref<1048576xf32, #tpu.memory_space<vmem_shared>>)
    %dma_wait3A_538 = arith.constant 24 : i32
    %dma_wait3A_539 = arith.constant 0 : i32
    %dma_wait3A_540 = tpu.memref_slice %arg7[%dma_wait3A_538, %dma_wait3A_539] : memref<32x128xi32, #tpu.memory_space<vmem>> -> memref<1x128xi32, #tpu.memory_space<vmem>>
    %dma_wait3A_541 = tpu.memref_squeeze %dma_wait3A_540 : memref<1x128xi32, #tpu.memory_space<vmem>> -> memref<128xi32, #tpu.memory_space<vmem>>
    %dma_wait3A_542 = arith.constant 0 : i32
    %dma_wait3A_543 = tpu.memref_slice %arg14[%dma_wait3A_542] : memref<1048576xf32, #tpu.memory_space<vmem_shared>> -> memref<1048576xf32, #tpu.memory_space<vmem_shared>>
    tpu.wait_indirect_dma semaphore(%arg18 : memref<!tpu.dma_semaphore, #tpu.memory_space<semaphore_mem>>) src(%arg13 : memref<128xf32, #tpu.memory_space<vmem>>) dst(%dma_wait3A_543 : memref<1048576xf32, #tpu.memory_space<vmem_shared>>)
    %dma_wait3A_544 = arith.constant 25 : i32
    %dma_wait3A_545 = arith.constant 0 : i32
    %dma_wait3A_546 = tpu.memref_slice %arg7[%dma_wait3A_544, %dma_wait3A_545] : memref<32x128xi32, #tpu.memory_space<vmem>> -> memref<1x128xi32, #tpu.memory_space<vmem>>
    %dma_wait3A_547 = tpu.memref_squeeze %dma_wait3A_546 : memref<1x128xi32, #tpu.memory_space<vmem>> -> memref<128xi32, #tpu.memory_space<vmem>>
    %dma_wait3A_548 = arith.constant 0 : i32
    %dma_wait3A_549 = tpu.memref_slice %arg14[%dma_wait3A_548] : memref<1048576xf32, #tpu.memory_space<vmem_shared>> -> memref<1048576xf32, #tpu.memory_space<vmem_shared>>
    tpu.wait_indirect_dma semaphore(%arg18 : memref<!tpu.dma_semaphore, #tpu.memory_space<semaphore_mem>>) src(%arg13 : memref<128xf32, #tpu.memory_space<vmem>>) dst(%dma_wait3A_549 : memref<1048576xf32, #tpu.memory_space<vmem_shared>>)
    %dma_wait3A_550 = arith.constant 26 : i32
    %dma_wait3A_551 = arith.constant 0 : i32
    %dma_wait3A_552 = tpu.memref_slice %arg7[%dma_wait3A_550, %dma_wait3A_551] : memref<32x128xi32, #tpu.memory_space<vmem>> -> memref<1x128xi32, #tpu.memory_space<vmem>>
    %dma_wait3A_553 = tpu.memref_squeeze %dma_wait3A_552 : memref<1x128xi32, #tpu.memory_space<vmem>> -> memref<128xi32, #tpu.memory_space<vmem>>
    %dma_wait3A_554 = arith.constant 0 : i32
    %dma_wait3A_555 = tpu.memref_slice %arg14[%dma_wait3A_554] : memref<1048576xf32, #tpu.memory_space<vmem_shared>> -> memref<1048576xf32, #tpu.memory_space<vmem_shared>>
    tpu.wait_indirect_dma semaphore(%arg18 : memref<!tpu.dma_semaphore, #tpu.memory_space<semaphore_mem>>) src(%arg13 : memref<128xf32, #tpu.memory_space<vmem>>) dst(%dma_wait3A_555 : memref<1048576xf32, #tpu.memory_space<vmem_shared>>)
    %dma_wait3A_556 = arith.constant 27 : i32
    %dma_wait3A_557 = arith.constant 0 : i32
    %dma_wait3A_558 = tpu.memref_slice %arg7[%dma_wait3A_556, %dma_wait3A_557] : memref<32x128xi32, #tpu.memory_space<vmem>> -> memref<1x128xi32, #tpu.memory_space<vmem>>
    %dma_wait3A_559 = tpu.memref_squeeze %dma_wait3A_558 : memref<1x128xi32, #tpu.memory_space<vmem>> -> memref<128xi32, #tpu.memory_space<vmem>>
    %dma_wait3A_560 = arith.constant 0 : i32
    %dma_wait3A_561 = tpu.memref_slice %arg14[%dma_wait3A_560] : memref<1048576xf32, #tpu.memory_space<vmem_shared>> -> memref<1048576xf32, #tpu.memory_space<vmem_shared>>
    tpu.wait_indirect_dma semaphore(%arg18 : memref<!tpu.dma_semaphore, #tpu.memory_space<semaphore_mem>>) src(%arg13 : memref<128xf32, #tpu.memory_space<vmem>>) dst(%dma_wait3A_561 : memref<1048576xf32, #tpu.memory_space<vmem_shared>>)
    %dma_wait3A_562 = arith.constant 28 : i32
    %dma_wait3A_563 = arith.constant 0 : i32
    %dma_wait3A_564 = tpu.memref_slice %arg7[%dma_wait3A_562, %dma_wait3A_563] : memref<32x128xi32, #tpu.memory_space<vmem>> -> memref<1x128xi32, #tpu.memory_space<vmem>>
    %dma_wait3A_565 = tpu.memref_squeeze %dma_wait3A_564 : memref<1x128xi32, #tpu.memory_space<vmem>> -> memref<128xi32, #tpu.memory_space<vmem>>
    %dma_wait3A_566 = arith.constant 0 : i32
    %dma_wait3A_567 = tpu.memref_slice %arg14[%dma_wait3A_566] : memref<1048576xf32, #tpu.memory_space<vmem_shared>> -> memref<1048576xf32, #tpu.memory_space<vmem_shared>>
    tpu.wait_indirect_dma semaphore(%arg18 : memref<!tpu.dma_semaphore, #tpu.memory_space<semaphore_mem>>) src(%arg13 : memref<128xf32, #tpu.memory_space<vmem>>) dst(%dma_wait3A_567 : memref<1048576xf32, #tpu.memory_space<vmem_shared>>)
    %dma_wait3A_568 = arith.constant 29 : i32
    %dma_wait3A_569 = arith.constant 0 : i32
    %dma_wait3A_570 = tpu.memref_slice %arg7[%dma_wait3A_568, %dma_wait3A_569] : memref<32x128xi32, #tpu.memory_space<vmem>> -> memref<1x128xi32, #tpu.memory_space<vmem>>
    %dma_wait3A_571 = tpu.memref_squeeze %dma_wait3A_570 : memref<1x128xi32, #tpu.memory_space<vmem>> -> memref<128xi32, #tpu.memory_space<vmem>>
    %dma_wait3A_572 = arith.constant 0 : i32
    %dma_wait3A_573 = tpu.memref_slice %arg14[%dma_wait3A_572] : memref<1048576xf32, #tpu.memory_space<vmem_shared>> -> memref<1048576xf32, #tpu.memory_space<vmem_shared>>
    tpu.wait_indirect_dma semaphore(%arg18 : memref<!tpu.dma_semaphore, #tpu.memory_space<semaphore_mem>>) src(%arg13 : memref<128xf32, #tpu.memory_space<vmem>>) dst(%dma_wait3A_573 : memref<1048576xf32, #tpu.memory_space<vmem_shared>>)
    %dma_wait3A_574 = arith.constant 30 : i32
    %dma_wait3A_575 = arith.constant 0 : i32
    %dma_wait3A_576 = tpu.memref_slice %arg7[%dma_wait3A_574, %dma_wait3A_575] : memref<32x128xi32, #tpu.memory_space<vmem>> -> memref<1x128xi32, #tpu.memory_space<vmem>>
    %dma_wait3A_577 = tpu.memref_squeeze %dma_wait3A_576 : memref<1x128xi32, #tpu.memory_space<vmem>> -> memref<128xi32, #tpu.memory_space<vmem>>
    %dma_wait3A_578 = arith.constant 0 : i32
    %dma_wait3A_579 = tpu.memref_slice %arg14[%dma_wait3A_578] : memref<1048576xf32, #tpu.memory_space<vmem_shared>> -> memref<1048576xf32, #tpu.memory_space<vmem_shared>>
    tpu.wait_indirect_dma semaphore(%arg18 : memref<!tpu.dma_semaphore, #tpu.memory_space<semaphore_mem>>) src(%arg13 : memref<128xf32, #tpu.memory_space<vmem>>) dst(%dma_wait3A_579 : memref<1048576xf32, #tpu.memory_space<vmem_shared>>)
    %dma_wait3A_580 = arith.constant 31 : i32
    %dma_wait3A_581 = arith.constant 0 : i32
    %dma_wait3A_582 = tpu.memref_slice %arg7[%dma_wait3A_580, %dma_wait3A_581] : memref<32x128xi32, #tpu.memory_space<vmem>> -> memref<1x128xi32, #tpu.memory_space<vmem>>
    %dma_wait3A_583 = tpu.memref_squeeze %dma_wait3A_582 : memref<1x128xi32, #tpu.memory_space<vmem>> -> memref<128xi32, #tpu.memory_space<vmem>>
    %dma_wait3A_584 = arith.constant 0 : i32
    %dma_wait3A_585 = tpu.memref_slice %arg14[%dma_wait3A_584] : memref<1048576xf32, #tpu.memory_space<vmem_shared>> -> memref<1048576xf32, #tpu.memory_space<vmem_shared>>
    tpu.wait_indirect_dma semaphore(%arg18 : memref<!tpu.dma_semaphore, #tpu.memory_space<semaphore_mem>>) src(%arg13 : memref<128xf32, #tpu.memory_space<vmem>>) dst(%dma_wait3A_585 : memref<1048576xf32, #tpu.memory_space<vmem_shared>>)
    %barrier3A_586 = arith.constant 0 : index
    tpu.barrier barrier_id(%barrier3A_586)
    %mul3A_587 = arith.constant 32768 : i32
    %mul3A_588 = arith.muli %add3A, %mul3A_587 : i32
    "tpu.region"() ({
      %run_scoped3A = tpu.sem_alloc : memref<!tpu.dma_semaphore, #tpu.memory_space<semaphore_mem>>
      %dma_start3A_595 = tpu.memref_slice %arg14[%mul3A_588] : memref<1048576xf32, #tpu.memory_space<vmem_shared>> -> memref<32768xf32, #tpu.memory_space<vmem_shared>>
      %dma_start3A_596 = tpu.memref_slice %arg14[%mul3A_588] : memref<1048576xf32, #tpu.memory_space<vmem_shared>> -> memref<32768xf32, #tpu.memory_space<vmem_shared>>
      tpu.enqueue_dma source(%dma_start3A_596 : memref<32768xf32, #tpu.memory_space<vmem_shared>>) target(%arg8 : memref<32768xf32, #tpu.memory_space<vmem>>) target_semaphore(%run_scoped3A : memref<!tpu.dma_semaphore, #tpu.memory_space<semaphore_mem>>)
      %dma_wait3A_597 = tpu.memref_slice %arg14[%mul3A_588] : memref<1048576xf32, #tpu.memory_space<vmem_shared>> -> memref<32768xf32, #tpu.memory_space<vmem_shared>>
      %dma_wait3A_598 = tpu.memref_slice %arg14[%mul3A_588] : memref<1048576xf32, #tpu.memory_space<vmem_shared>> -> memref<32768xf32, #tpu.memory_space<vmem_shared>>
      tpu.wait_dma2 semaphore(%run_scoped3A : memref<!tpu.dma_semaphore, #tpu.memory_space<semaphore_mem>>) src(%dma_wait3A_598 : memref<32768xf32, #tpu.memory_space<vmem_shared>>) dst(%arg8 : memref<32768xf32, #tpu.memory_space<vmem>>)
      tpu.yield
    }) : () -> ()
    "tpu.region"() ({
      %run_scoped3A = tpu.sem_alloc : memref<!tpu.dma_semaphore, #tpu.memory_space<semaphore_mem>>
      tpu.enqueue_dma source(%arg15 : memref<2048xf32, #tpu.memory_space<vmem_shared>>) target(%arg9 : memref<2048xf32, #tpu.memory_space<vmem>>) target_semaphore(%run_scoped3A : memref<!tpu.dma_semaphore, #tpu.memory_space<semaphore_mem>>)
      tpu.wait_dma2 semaphore(%run_scoped3A : memref<!tpu.dma_semaphore, #tpu.memory_space<semaphore_mem>>) src(%arg15 : memref<2048xf32, #tpu.memory_space<vmem_shared>>) dst(%arg9 : memref<2048xf32, #tpu.memory_space<vmem>>)
      tpu.yield
    }) : () -> ()
    %scan3A_589 = arith.constant 0 : i32
    %scan3A_590 = arith.constant 0 : i32
    %scan3A_591 = arith.constant 16 : i32
    %scan3A_592 = arith.addi %scan3A_590, %scan3A_591 : i32
    %scan3A_593 = arith.constant 1 : i32
    scf.for %scan3A_595 = %scan3A_590 to %scan3A_592 step %scan3A_593  : i32 {
      %mul3A_596 = arith.constant 2048 : i32
      %mul3A_597 = arith.muli %scan3A_595, %mul3A_596 : i32
      %scan3A_598 = arith.constant 0 : i32
      %scan3A_599 = arith.constant 16 : i32
      %scan3A_600 = arith.addi %scan3A_598, %scan3A_599 : i32
      %scan3A_601 = arith.constant 1 : i32
      %scan3A_602 = scf.for %scan3A_638 = %scan3A_598 to %scan3A_600 step %scan3A_601 iter_args(%scan3A_639 = %broadcast_in_dim3A_3) -> (vector<16xf32>)  : i32 {
        %mul3A_640 = arith.constant 128 : i32
        %mul3A_641 = arith.muli %scan3A_638, %mul3A_640 : i32
        %add3A_642 = arith.addi %mul3A_597, %mul3A_641 : i32
        %add3A_643 = arith.constant 0 : i32
        %add3A_644 = arith.addi %add3A_642, %add3A_643 : i32
        %get3A = arith.index_cast %add3A_644 : i32 to index
        %get3A_645 = tpu.vector_load %arg8[%get3A] {strides = array<i32>} : memref<32768xf32, #tpu.memory_space<vmem>>, vector<16xf32>,
        %add3A_646 = arith.addf %scan3A_639, %get3A_645 : vector<16xf32>
        %mul3A_647 = arith.constant 128 : i32
        %mul3A_648 = arith.muli %scan3A_638, %mul3A_647 : i32
        %add3A_649 = arith.addi %mul3A_597, %mul3A_648 : i32
        %add3A_650 = arith.constant 16 : i32
        %add3A_651 = arith.addi %add3A_649, %add3A_650 : i32
        %get3A_652 = arith.index_cast %add3A_651 : i32 to index
        %get3A_653 = tpu.vector_load %arg8[%get3A_652] {strides = array<i32>} : memref<32768xf32, #tpu.memory_space<vmem>>, vector<16xf32>,
        %add3A_654 = arith.addf %add3A_646, %get3A_653 : vector<16xf32>
        %mul3A_655 = arith.constant 128 : i32
        %mul3A_656 = arith.muli %scan3A_638, %mul3A_655 : i32
        %add3A_657 = arith.addi %mul3A_597, %mul3A_656 : i32
        %add3A_658 = arith.constant 32 : i32
        %add3A_659 = arith.addi %add3A_657, %add3A_658 : i32
        %get3A_660 = arith.index_cast %add3A_659 : i32 to index
        %get3A_661 = tpu.vector_load %arg8[%get3A_660] {strides = array<i32>} : memref<32768xf32, #tpu.memory_space<vmem>>, vector<16xf32>,
        %add3A_662 = arith.addf %add3A_654, %get3A_661 : vector<16xf32>
        %mul3A_663 = arith.constant 128 : i32
        %mul3A_664 = arith.muli %scan3A_638, %mul3A_663 : i32
        %add3A_665 = arith.addi %mul3A_597, %mul3A_664 : i32
        %add3A_666 = arith.constant 48 : i32
        %add3A_667 = arith.addi %add3A_665, %add3A_666 : i32
        %get3A_668 = arith.index_cast %add3A_667 : i32 to index
        %get3A_669 = tpu.vector_load %arg8[%get3A_668] {strides = array<i32>} : memref<32768xf32, #tpu.memory_space<vmem>>, vector<16xf32>,
        %add3A_670 = arith.addf %add3A_662, %get3A_669 : vector<16xf32>
        %mul3A_671 = arith.constant 128 : i32
        %mul3A_672 = arith.muli %scan3A_638, %mul3A_671 : i32
        %add3A_673 = arith.addi %mul3A_597, %mul3A_672 : i32
        %add3A_674 = arith.constant 64 : i32
        %add3A_675 = arith.addi %add3A_673, %add3A_674 : i32
        %get3A_676 = arith.index_cast %add3A_675 : i32 to index
        %get3A_677 = tpu.vector_load %arg8[%get3A_676] {strides = array<i32>} : memref<32768xf32, #tpu.memory_space<vmem>>, vector<16xf32>,
        %add3A_678 = arith.addf %add3A_670, %get3A_677 : vector<16xf32>
        %mul3A_679 = arith.constant 128 : i32
        %mul3A_680 = arith.muli %scan3A_638, %mul3A_679 : i32
        %add3A_681 = arith.addi %mul3A_597, %mul3A_680 : i32
        %add3A_682 = arith.constant 80 : i32
        %add3A_683 = arith.addi %add3A_681, %add3A_682 : i32
        %get3A_684 = arith.index_cast %add3A_683 : i32 to index
        %get3A_685 = tpu.vector_load %arg8[%get3A_684] {strides = array<i32>} : memref<32768xf32, #tpu.memory_space<vmem>>, vector<16xf32>,
        %add3A_686 = arith.addf %add3A_678, %get3A_685 : vector<16xf32>
        %mul3A_687 = arith.constant 128 : i32
        %mul3A_688 = arith.muli %scan3A_638, %mul3A_687 : i32
        %add3A_689 = arith.addi %mul3A_597, %mul3A_688 : i32
        %add3A_690 = arith.constant 96 : i32
        %add3A_691 = arith.addi %add3A_689, %add3A_690 : i32
        %get3A_692 = arith.index_cast %add3A_691 : i32 to index
        %get3A_693 = tpu.vector_load %arg8[%get3A_692] {strides = array<i32>} : memref<32768xf32, #tpu.memory_space<vmem>>, vector<16xf32>,
        %add3A_694 = arith.addf %add3A_686, %get3A_693 : vector<16xf32>
        %mul3A_695 = arith.constant 128 : i32
        %mul3A_696 = arith.muli %scan3A_638, %mul3A_695 : i32
        %add3A_697 = arith.addi %mul3A_597, %mul3A_696 : i32
        %add3A_698 = arith.constant 112 : i32
        %add3A_699 = arith.addi %add3A_697, %add3A_698 : i32
        %get3A_700 = arith.index_cast %add3A_699 : i32 to index
        %get3A_701 = tpu.vector_load %arg8[%get3A_700] {strides = array<i32>} : memref<32768xf32, #tpu.memory_space<vmem>>, vector<16xf32>,
        %add3A_702 = arith.addf %add3A_694, %get3A_701 : vector<16xf32>
        scf.yield %add3A_702 : vector<16xf32>
      }
      %scan3A_603 = arith.constant 16 : i32
      %reduce_sum3A = arith.constant true
      %reduce_sum3A_604 = vector.broadcast %reduce_sum3A : i1 to vector<16xi1>
      %reduce_sum3A_605 = tpu.scan <sum>, %scan3A_602 masked %reduce_sum3A_604 : vector<16xf32>, vector<16xi1> -> vector<16xf32>
      %reduce_sum3A_606 = vector.extract %reduce_sum3A_605[15] : f32 from vector<16xf32>
      %broadcast_in_dim3A_607 = vector.broadcast %reduce_sum3A_606 : f32 to vector<16xf32>
      %scan3A_608 = arith.constant 0 : i32
      %scan3A_609 = arith.constant 16 : i32
      %scan3A_610 = arith.addi %scan3A_608, %scan3A_609 : i32
      %scan3A_611 = arith.constant 1 : i32
      %scan3A_612:8 = scf.for %scan3A_638 = %scan3A_608 to %scan3A_610 step %scan3A_611 iter_args(%scan3A_639 = %broadcast_in_dim3A_3, %scan3A_640 = %broadcast_in_dim3A_3, %scan3A_641 = %broadcast_in_dim3A_3, %scan3A_642 = %broadcast_in_dim3A_3, %scan3A_643 = %broadcast_in_dim3A_3, %scan3A_644 = %broadcast_in_dim3A_3, %scan3A_645 = %broadcast_in_dim3A_3, %scan3A_646 = %broadcast_in_dim3A_3) -> (vector<16xf32>, vector<16xf32>, vector<16xf32>, vector<16xf32>, vector<16xf32>, vector<16xf32>, vector<16xf32>, vector<16xf32>)  : i32 {
        %mul3A_647 = arith.constant 128 : i32
        %mul3A_648 = arith.muli %scan3A_638, %mul3A_647 : i32
        %add3A_649 = arith.addi %mul3A_597, %mul3A_648 : i32
        %mul3A_650 = arith.constant 128 : i32
        %mul3A_651 = arith.muli %scan3A_638, %mul3A_650 : i32
        %add3A_652 = arith.constant 0 : i32
        %add3A_653 = arith.addi %add3A_649, %add3A_652 : i32
        %get3A = arith.index_cast %add3A_653 : i32 to index
        %get3A_654 = tpu.vector_load %arg8[%get3A] {strides = array<i32>} : memref<32768xf32, #tpu.memory_space<vmem>>, vector<16xf32>,
        %add3A_655 = arith.constant 0 : i32
        %add3A_656 = arith.addi %mul3A_651, %add3A_655 : i32
        %get3A_657 = arith.index_cast %add3A_656 : i32 to index
        %get3A_658 = tpu.vector_load %arg9[%get3A_657] {strides = array<i32>} : memref<2048xf32, #tpu.memory_space<vmem>>, vector<16xf32>,
        %gt3A = arith.constant 0.000000e+00 : f32
        %gt3A_659 = vector.broadcast %gt3A : f32 to vector<16xf32>
        %gt3A_660 = arith.cmpf ogt, %get3A_654, %gt3A_659 : vector<16xf32>
        %add3A_661 = arith.addf %broadcast_in_dim3A_607, %get3A_658 : vector<16xf32>
        %sub3A = arith.subf %add3A_661, %get3A_654 : vector<16xf32>
        %div3A = arith.divf %get3A_654, %sub3A : vector<16xf32>
        %jit3A = arith.constant 0.000000e+00 : f32
        %broadcast_in_dim3A_662 = vector.broadcast %jit3A : f32 to vector<16xf32>
        %select_n3A = arith.select %gt3A_660, %div3A, %broadcast_in_dim3A_662 : vector<16xi1>, vector<16xf32>
        %add3A_663 = arith.addf %scan3A_639, %select_n3A : vector<16xf32>
        %add3A_664 = arith.constant 16 : i32
        %add3A_665 = arith.addi %add3A_649, %add3A_664 : i32
        %get3A_666 = arith.index_cast %add3A_665 : i32 to index
        %get3A_667 = tpu.vector_load %arg8[%get3A_666] {strides = array<i32>} : memref<32768xf32, #tpu.memory_space<vmem>>, vector<16xf32>,
        %add3A_668 = arith.constant 16 : i32
        %add3A_669 = arith.addi %mul3A_651, %add3A_668 : i32
        %get3A_670 = arith.index_cast %add3A_669 : i32 to index
        %get3A_671 = tpu.vector_load %arg9[%get3A_670] {strides = array<i32>} : memref<2048xf32, #tpu.memory_space<vmem>>, vector<16xf32>,
        %gt3A_672 = arith.constant 0.000000e+00 : f32
        %gt3A_673 = vector.broadcast %gt3A_672 : f32 to vector<16xf32>
        %gt3A_674 = arith.cmpf ogt, %get3A_667, %gt3A_673 : vector<16xf32>
        %add3A_675 = arith.addf %broadcast_in_dim3A_607, %get3A_671 : vector<16xf32>
        %sub3A_676 = arith.subf %add3A_675, %get3A_667 : vector<16xf32>
        %div3A_677 = arith.divf %get3A_667, %sub3A_676 : vector<16xf32>
        %jit3A_678 = arith.constant 0.000000e+00 : f32
        %broadcast_in_dim3A_679 = vector.broadcast %jit3A_678 : f32 to vector<16xf32>
        %select_n3A_680 = arith.select %gt3A_674, %div3A_677, %broadcast_in_dim3A_679 : vector<16xi1>, vector<16xf32>
        %add3A_681 = arith.addf %scan3A_640, %select_n3A_680 : vector<16xf32>
        %add3A_682 = arith.constant 32 : i32
        %add3A_683 = arith.addi %add3A_649, %add3A_682 : i32
        %get3A_684 = arith.index_cast %add3A_683 : i32 to index
        %get3A_685 = tpu.vector_load %arg8[%get3A_684] {strides = array<i32>} : memref<32768xf32, #tpu.memory_space<vmem>>, vector<16xf32>,
        %add3A_686 = arith.constant 32 : i32
        %add3A_687 = arith.addi %mul3A_651, %add3A_686 : i32
        %get3A_688 = arith.index_cast %add3A_687 : i32 to index
        %get3A_689 = tpu.vector_load %arg9[%get3A_688] {strides = array<i32>} : memref<2048xf32, #tpu.memory_space<vmem>>, vector<16xf32>,
        %gt3A_690 = arith.constant 0.000000e+00 : f32
        %gt3A_691 = vector.broadcast %gt3A_690 : f32 to vector<16xf32>
        %gt3A_692 = arith.cmpf ogt, %get3A_685, %gt3A_691 : vector<16xf32>
        %add3A_693 = arith.addf %broadcast_in_dim3A_607, %get3A_689 : vector<16xf32>
        %sub3A_694 = arith.subf %add3A_693, %get3A_685 : vector<16xf32>
        %div3A_695 = arith.divf %get3A_685, %sub3A_694 : vector<16xf32>
        %jit3A_696 = arith.constant 0.000000e+00 : f32
        %broadcast_in_dim3A_697 = vector.broadcast %jit3A_696 : f32 to vector<16xf32>
        %select_n3A_698 = arith.select %gt3A_692, %div3A_695, %broadcast_in_dim3A_697 : vector<16xi1>, vector<16xf32>
        %add3A_699 = arith.addf %scan3A_641, %select_n3A_698 : vector<16xf32>
        %add3A_700 = arith.constant 48 : i32
        %add3A_701 = arith.addi %add3A_649, %add3A_700 : i32
        %get3A_702 = arith.index_cast %add3A_701 : i32 to index
        %get3A_703 = tpu.vector_load %arg8[%get3A_702] {strides = array<i32>} : memref<32768xf32, #tpu.memory_space<vmem>>, vector<16xf32>,
        %add3A_704 = arith.constant 48 : i32
        %add3A_705 = arith.addi %mul3A_651, %add3A_704 : i32
        %get3A_706 = arith.index_cast %add3A_705 : i32 to index
        %get3A_707 = tpu.vector_load %arg9[%get3A_706] {strides = array<i32>} : memref<2048xf32, #tpu.memory_space<vmem>>, vector<16xf32>,
        %gt3A_708 = arith.constant 0.000000e+00 : f32
        %gt3A_709 = vector.broadcast %gt3A_708 : f32 to vector<16xf32>
        %gt3A_710 = arith.cmpf ogt, %get3A_703, %gt3A_709 : vector<16xf32>
        %add3A_711 = arith.addf %broadcast_in_dim3A_607, %get3A_707 : vector<16xf32>
        %sub3A_712 = arith.subf %add3A_711, %get3A_703 : vector<16xf32>
        %div3A_713 = arith.divf %get3A_703, %sub3A_712 : vector<16xf32>
        %jit3A_714 = arith.constant 0.000000e+00 : f32
        %broadcast_in_dim3A_715 = vector.broadcast %jit3A_714 : f32 to vector<16xf32>
        %select_n3A_716 = arith.select %gt3A_710, %div3A_713, %broadcast_in_dim3A_715 : vector<16xi1>, vector<16xf32>
        %add3A_717 = arith.addf %scan3A_642, %select_n3A_716 : vector<16xf32>
        %add3A_718 = arith.constant 64 : i32
        %add3A_719 = arith.addi %add3A_649, %add3A_718 : i32
        %get3A_720 = arith.index_cast %add3A_719 : i32 to index
        %get3A_721 = tpu.vector_load %arg8[%get3A_720] {strides = array<i32>} : memref<32768xf32, #tpu.memory_space<vmem>>, vector<16xf32>,
        %add3A_722 = arith.constant 64 : i32
        %add3A_723 = arith.addi %mul3A_651, %add3A_722 : i32
        %get3A_724 = arith.index_cast %add3A_723 : i32 to index
        %get3A_725 = tpu.vector_load %arg9[%get3A_724] {strides = array<i32>} : memref<2048xf32, #tpu.memory_space<vmem>>, vector<16xf32>,
        %gt3A_726 = arith.constant 0.000000e+00 : f32
        %gt3A_727 = vector.broadcast %gt3A_726 : f32 to vector<16xf32>
        %gt3A_728 = arith.cmpf ogt, %get3A_721, %gt3A_727 : vector<16xf32>
        %add3A_729 = arith.addf %broadcast_in_dim3A_607, %get3A_725 : vector<16xf32>
        %sub3A_730 = arith.subf %add3A_729, %get3A_721 : vector<16xf32>
        %div3A_731 = arith.divf %get3A_721, %sub3A_730 : vector<16xf32>
        %jit3A_732 = arith.constant 0.000000e+00 : f32
        %broadcast_in_dim3A_733 = vector.broadcast %jit3A_732 : f32 to vector<16xf32>
        %select_n3A_734 = arith.select %gt3A_728, %div3A_731, %broadcast_in_dim3A_733 : vector<16xi1>, vector<16xf32>
        %add3A_735 = arith.addf %scan3A_643, %select_n3A_734 : vector<16xf32>
        %add3A_736 = arith.constant 80 : i32
        %add3A_737 = arith.addi %add3A_649, %add3A_736 : i32
        %get3A_738 = arith.index_cast %add3A_737 : i32 to index
        %get3A_739 = tpu.vector_load %arg8[%get3A_738] {strides = array<i32>} : memref<32768xf32, #tpu.memory_space<vmem>>, vector<16xf32>,
        %add3A_740 = arith.constant 80 : i32
        %add3A_741 = arith.addi %mul3A_651, %add3A_740 : i32
        %get3A_742 = arith.index_cast %add3A_741 : i32 to index
        %get3A_743 = tpu.vector_load %arg9[%get3A_742] {strides = array<i32>} : memref<2048xf32, #tpu.memory_space<vmem>>, vector<16xf32>,
        %gt3A_744 = arith.constant 0.000000e+00 : f32
        %gt3A_745 = vector.broadcast %gt3A_744 : f32 to vector<16xf32>
        %gt3A_746 = arith.cmpf ogt, %get3A_739, %gt3A_745 : vector<16xf32>
        %add3A_747 = arith.addf %broadcast_in_dim3A_607, %get3A_743 : vector<16xf32>
        %sub3A_748 = arith.subf %add3A_747, %get3A_739 : vector<16xf32>
        %div3A_749 = arith.divf %get3A_739, %sub3A_748 : vector<16xf32>
        %jit3A_750 = arith.constant 0.000000e+00 : f32
        %broadcast_in_dim3A_751 = vector.broadcast %jit3A_750 : f32 to vector<16xf32>
        %select_n3A_752 = arith.select %gt3A_746, %div3A_749, %broadcast_in_dim3A_751 : vector<16xi1>, vector<16xf32>
        %add3A_753 = arith.addf %scan3A_644, %select_n3A_752 : vector<16xf32>
        %add3A_754 = arith.constant 96 : i32
        %add3A_755 = arith.addi %add3A_649, %add3A_754 : i32
        %get3A_756 = arith.index_cast %add3A_755 : i32 to index
        %get3A_757 = tpu.vector_load %arg8[%get3A_756] {strides = array<i32>} : memref<32768xf32, #tpu.memory_space<vmem>>, vector<16xf32>,
        %add3A_758 = arith.constant 96 : i32
        %add3A_759 = arith.addi %mul3A_651, %add3A_758 : i32
        %get3A_760 = arith.index_cast %add3A_759 : i32 to index
        %get3A_761 = tpu.vector_load %arg9[%get3A_760] {strides = array<i32>} : memref<2048xf32, #tpu.memory_space<vmem>>, vector<16xf32>,
        %gt3A_762 = arith.constant 0.000000e+00 : f32
        %gt3A_763 = vector.broadcast %gt3A_762 : f32 to vector<16xf32>
        %gt3A_764 = arith.cmpf ogt, %get3A_757, %gt3A_763 : vector<16xf32>
        %add3A_765 = arith.addf %broadcast_in_dim3A_607, %get3A_761 : vector<16xf32>
        %sub3A_766 = arith.subf %add3A_765, %get3A_757 : vector<16xf32>
        %div3A_767 = arith.divf %get3A_757, %sub3A_766 : vector<16xf32>
        %jit3A_768 = arith.constant 0.000000e+00 : f32
        %broadcast_in_dim3A_769 = vector.broadcast %jit3A_768 : f32 to vector<16xf32>
        %select_n3A_770 = arith.select %gt3A_764, %div3A_767, %broadcast_in_dim3A_769 : vector<16xi1>, vector<16xf32>
        %add3A_771 = arith.addf %scan3A_645, %select_n3A_770 : vector<16xf32>
        %add3A_772 = arith.constant 112 : i32
        %add3A_773 = arith.addi %add3A_649, %add3A_772 : i32
        %get3A_774 = arith.index_cast %add3A_773 : i32 to index
        %get3A_775 = tpu.vector_load %arg8[%get3A_774] {strides = array<i32>} : memref<32768xf32, #tpu.memory_space<vmem>>, vector<16xf32>,
        %add3A_776 = arith.constant 112 : i32
        %add3A_777 = arith.addi %mul3A_651, %add3A_776 : i32
        %get3A_778 = arith.index_cast %add3A_777 : i32 to index
        %get3A_779 = tpu.vector_load %arg9[%get3A_778] {strides = array<i32>} : memref<2048xf32, #tpu.memory_space<vmem>>, vector<16xf32>,
        %gt3A_780 = arith.constant 0.000000e+00 : f32
        %gt3A_781 = vector.broadcast %gt3A_780 : f32 to vector<16xf32>
        %gt3A_782 = arith.cmpf ogt, %get3A_775, %gt3A_781 : vector<16xf32>
        %add3A_783 = arith.addf %broadcast_in_dim3A_607, %get3A_779 : vector<16xf32>
        %sub3A_784 = arith.subf %add3A_783, %get3A_775 : vector<16xf32>
        %div3A_785 = arith.divf %get3A_775, %sub3A_784 : vector<16xf32>
        %jit3A_786 = arith.constant 0.000000e+00 : f32
        %broadcast_in_dim3A_787 = vector.broadcast %jit3A_786 : f32 to vector<16xf32>
        %select_n3A_788 = arith.select %gt3A_782, %div3A_785, %broadcast_in_dim3A_787 : vector<16xi1>, vector<16xf32>
        %add3A_789 = arith.addf %scan3A_646, %select_n3A_788 : vector<16xf32>
        scf.yield %add3A_663, %add3A_681, %add3A_699, %add3A_717, %add3A_735, %add3A_753, %add3A_771, %add3A_789 : vector<16xf32>, vector<16xf32>, vector<16xf32>, vector<16xf32>, vector<16xf32>, vector<16xf32>, vector<16xf32>, vector<16xf32>
      }
      %scan3A_613 = arith.constant 16 : i32
      %swap3A_614 = arith.index_cast %scan3A_595 : i32 to index
      %swap3A_615 = arith.constant 0 : index
      %swap3A_616 = tpu.vector_load %arg11[%swap3A_614, %swap3A_615] {strides = array<i32>} : memref<16x128xf32, #tpu.memory_space<vmem>>, vector<16xf32>,
      tpu.vector_store %arg11[%swap3A_614, %swap3A_615], %scan3A_612#0 {strides = array<i32>} : memref<16x128xf32, #tpu.memory_space<vmem>>, vector<16xf32>,
      %swap3A_617 = arith.index_cast %scan3A_595 : i32 to index
      %swap3A_618 = arith.constant 16 : index
      %swap3A_619 = tpu.vector_load %arg11[%swap3A_617, %swap3A_618] {strides = array<i32>} : memref<16x128xf32, #tpu.memory_space<vmem>>, vector<16xf32>,
      tpu.vector_store %arg11[%swap3A_617, %swap3A_618], %scan3A_612#1 {strides = array<i32>} : memref<16x128xf32, #tpu.memory_space<vmem>>, vector<16xf32>,
      %swap3A_620 = arith.index_cast %scan3A_595 : i32 to index
      %swap3A_621 = arith.constant 32 : index
      %swap3A_622 = tpu.vector_load %arg11[%swap3A_620, %swap3A_621] {strides = array<i32>} : memref<16x128xf32, #tpu.memory_space<vmem>>, vector<16xf32>,
      tpu.vector_store %arg11[%swap3A_620, %swap3A_621], %scan3A_612#2 {strides = array<i32>} : memref<16x128xf32, #tpu.memory_space<vmem>>, vector<16xf32>,
      %swap3A_623 = arith.index_cast %scan3A_595 : i32 to index
      %swap3A_624 = arith.constant 48 : index
      %swap3A_625 = tpu.vector_load %arg11[%swap3A_623, %swap3A_624] {strides = array<i32>} : memref<16x128xf32, #tpu.memory_space<vmem>>, vector<16xf32>,
      tpu.vector_store %arg11[%swap3A_623, %swap3A_624], %scan3A_612#3 {strides = array<i32>} : memref<16x128xf32, #tpu.memory_space<vmem>>, vector<16xf32>,
      %swap3A_626 = arith.index_cast %scan3A_595 : i32 to index
      %swap3A_627 = arith.constant 64 : index
      %swap3A_628 = tpu.vector_load %arg11[%swap3A_626, %swap3A_627] {strides = array<i32>} : memref<16x128xf32, #tpu.memory_space<vmem>>, vector<16xf32>,
      tpu.vector_store %arg11[%swap3A_626, %swap3A_627], %scan3A_612#4 {strides = array<i32>} : memref<16x128xf32, #tpu.memory_space<vmem>>, vector<16xf32>,
      %swap3A_629 = arith.index_cast %scan3A_595 : i32 to index
      %swap3A_630 = arith.constant 80 : index
      %swap3A_631 = tpu.vector_load %arg11[%swap3A_629, %swap3A_630] {strides = array<i32>} : memref<16x128xf32, #tpu.memory_space<vmem>>, vector<16xf32>,
      tpu.vector_store %arg11[%swap3A_629, %swap3A_630], %scan3A_612#5 {strides = array<i32>} : memref<16x128xf32, #tpu.memory_space<vmem>>, vector<16xf32>,
      %swap3A_632 = arith.index_cast %scan3A_595 : i32 to index
      %swap3A_633 = arith.constant 96 : index
      %swap3A_634 = tpu.vector_load %arg11[%swap3A_632, %swap3A_633] {strides = array<i32>} : memref<16x128xf32, #tpu.memory_space<vmem>>, vector<16xf32>,
      tpu.vector_store %arg11[%swap3A_632, %swap3A_633], %scan3A_612#6 {strides = array<i32>} : memref<16x128xf32, #tpu.memory_space<vmem>>, vector<16xf32>,
      %swap3A_635 = arith.index_cast %scan3A_595 : i32 to index
      %swap3A_636 = arith.constant 112 : index
      %swap3A_637 = tpu.vector_load %arg11[%swap3A_635, %swap3A_636] {strides = array<i32>} : memref<16x128xf32, #tpu.memory_space<vmem>>, vector<16xf32>,
      tpu.vector_store %arg11[%swap3A_635, %swap3A_636], %scan3A_612#7 {strides = array<i32>} : memref<16x128xf32, #tpu.memory_space<vmem>>, vector<16xf32>,
    }
    %scan3A_594 = arith.constant 16 : i32
    "tpu.region"() ({
      %run_scoped3A = tpu.sem_alloc : memref<!tpu.dma_semaphore, #tpu.memory_space<semaphore_mem>>
      %dma_start3A_595 = arith.constant 0 : i32
      %dma_start3A_596 = tpu.memref_slice %arg4[%mul3A_2, %dma_start3A_595] : memref<512x128xf32, #tpu.memory_space<hbm>> -> memref<16x128xf32, #tpu.memory_space<hbm>>
      %dma_start3A_597 = arith.constant 0 : i32
      %dma_start3A_598 = tpu.memref_slice %arg4[%mul3A_2, %dma_start3A_597] : memref<512x128xf32, #tpu.memory_space<hbm>> -> memref<16x128xf32, #tpu.memory_space<hbm>>
      tpu.enqueue_dma source(%arg11 : memref<16x128xf32, #tpu.memory_space<vmem>>) target(%dma_start3A_598 : memref<16x128xf32, #tpu.memory_space<hbm>>) target_semaphore(%run_scoped3A : memref<!tpu.dma_semaphore, #tpu.memory_space<semaphore_mem>>)
      %dma_wait3A_599 = arith.constant 0 : i32
      %dma_wait3A_600 = tpu.memref_slice %arg4[%mul3A_2, %dma_wait3A_599] : memref<512x128xf32, #tpu.memory_space<hbm>> -> memref<16x128xf32, #tpu.memory_space<hbm>>
      %dma_wait3A_601 = arith.constant 0 : i32
      %dma_wait3A_602 = tpu.memref_slice %arg4[%mul3A_2, %dma_wait3A_601] : memref<512x128xf32, #tpu.memory_space<hbm>> -> memref<16x128xf32, #tpu.memory_space<hbm>>
      tpu.wait_dma2 semaphore(%run_scoped3A : memref<!tpu.dma_semaphore, #tpu.memory_space<semaphore_mem>>) src(%arg11 : memref<16x128xf32, #tpu.memory_space<vmem>>) dst(%dma_wait3A_602 : memref<16x128xf32, #tpu.memory_space<hbm>>)
      tpu.yield
    }) : () -> ()
    return
  }
}

module attributes {stable_mosaic.version = 14 : i64} {
  func.func @body(%arg0: memref<512x128xf32, #tpu.memory_space<vmem>>, %arg1: memref<128x128xf32, #tpu.memory_space<vmem>>, %arg2: memref<512x128xf32, #tpu.memory_space<vmem>>) attributes {dimension_semantics = [], scalar_prefetch = 0 : i64, scratch_operands = 0 : i64, tpu.core_type = #tpu.core_type<tc>} {
    %get3A = arith.constant 0 : index
    %get3A_0 = arith.constant 0 : index
    %get3A_1 = vector.load %arg0[%get3A, %get3A_0] : memref<512x128xf32, #tpu.memory_space<vmem>>, vector<512x128xf32>
    %get3A_2 = arith.constant 0 : index
    %get3A_3 = arith.constant 0 : index
    %get3A_4 = vector.load %arg1[%get3A_2, %get3A_3] : memref<128x128xf32, #tpu.memory_space<vmem>>, vector<128x128xf32>
    %dot_general3A = arith.constant dense<0.000000e+00> : vector<512x128xf32>
    %dot_general3A_5 = tpu.matmul %get3A_1, %get3A_4, %dot_general3A {dimension_numbers = #tpu.dot_dimension_numbers<[1], [0], [0], [1], [0, 0, 1, 1], [], []>, transpose_lhs_hint = false} : vector<512x128xf32>, vector<128x128xf32>, vector<512x128xf32> -> vector<512x128xf32>
    %reduce_sum3A = arith.constant dense<0.000000e+00> : vector<512xf32>
    %reduce_sum3A_6 = vector.multi_reduction <add>, %dot_general3A_5, %reduce_sum3A [1] : vector<512x128xf32> to vector<512xf32>
    %broadcast_in_dim3A = vector.shape_cast %reduce_sum3A_6 : vector<512xf32> to vector<512x1xf32>
    %div3A = vector.broadcast %broadcast_in_dim3A : vector<512x1xf32> to vector<512x128xf32>
    %div3A_7 = arith.divf %dot_general3A_5, %div3A : vector<512x128xf32>
    %swap3A = arith.constant 0 : index
    %swap3A_8 = arith.constant 0 : index
    %swap3A_9 = vector.load %arg2[%swap3A, %swap3A_8] : memref<512x128xf32, #tpu.memory_space<vmem>>, vector<512x128xf32>
    tpu.vector_store %arg2[%swap3A, %swap3A_8], %div3A_7 {strides = array<i32>} : memref<512x128xf32, #tpu.memory_space<vmem>>, vector<512x128xf32>,
    return
  }
}

</mosaic_0001>

<sc_bundles>
// kernel: kernel.4.cloned.1.call-start
scs
__scs_entry_jumppad:
0x0: {  	(pc) =	sbr.rel $0x88, $3  }
0x1: {  	(tag) =	ssettag $0x0;
	lr =	simm.s32 $0x1  }
0x2: {  	[smem:$0x3F9E] =	sst lr;
	_ =	strace $0xD0000000  }
0x3: {  	_ = 	snop  }
0x4: {  	_ = 	snop  }
0x5: {  	_ = 	snop  }
0x6: {  	_ = 	snop  }
0x7: {  	_ = 	snop  }
__scs_overlays_trampoline_lowered:
0x8: {  	[smem:$0x3FAD] =	sst s0  }
0x9: {  	[smem:$0x3FAE] =	sst s1  }
0xa: {  	[smem:$0x3FAF] =	sst s2  }
0xb: {  	[smem:$0x3FB0] =	sst s3  }
0xc: {  	[smem:$0x3FB1] =	sst s4  }
0xd: {  	[smem:$0x3FB2] =	sst s5  }
0xe: {  	[smem:$0x3FB3] =	sst s6  }
0xf: {  	[smem:$0x3FB4] =	sst s7  }
0x10: {  	[smem:$0x3FB5] =	sst s8  }
0x11: {  	[smem:$0x3FB6] =	sst s9;
	s0 =	simm.s32 @!p0 $0x0  }
0x12: {  	s1 =	sld [smem:$0x3F9C];
	s0 =	simm.s32 @p0 $0x1  }
0x13: {  	[smem:$0x3FB7] =	sst s0;
	s0 =	simm.s32 @!p1 $0x0  }
0x14: {  	s2 =	sld [smem:$0x3F9B];
	s0 =	simm.s32 @p1 $0x1  }
0x15: {  	[smem:$0x3FB8] =	sst s0;
	s0 =	simm.s32 @!p2 $0x0  }
0x16: {  	s3 =	sld [smem:$0x3FDB];
	s0 =	simm.s32 @p2 $0x1  }
0x17: {  	s4 =	simm.s32 $0x1BF5;
	[smem:$0x3FBA] =	sst s0  }
0x18: {  	s0 =	sld [smem:$0x3F9D];
	_ =	swait.ge [sflag:s4], $0x0  }
0x19: {  	s7 =	sld [smem:$0x3F9E]  }
0x1a: {  	s8 =	sadd.s32 $0xFFFFE003, lr  }
0x1b: {  	s9 =	sadd.s32 $0xFFFFFEF7, lr;
	s5 =	simm.s32 $0xFFFFFFFF;
	p2 =	slt.u32 s8, $0xFFFFF086  }
0x1c: {  	p1 =	slt.u32 s9, $0xF7A;
	s5 =	simm.s32 @!p2 $0x0  }
0x1d: {  	s5 =	simm.s32 @p1 $0x1;
	p0 =	seq.s32 s7, s2  }
0x1e: {  	s7 =	smul.u32 @!p0 $0xF7A, s2;
	p2 =	seq.s32 @!p0 s5, $0x0  }
0x1f: {  	s9 =	smul.u32 $0xF7A, s1;
	s8 =	simm.s32 @!p0 $0x1BF5;
	p2 =	por !p2, p0  }
0x20: {  	[sflag:s8] =	ssyncset.s32 @!p0 $0xFFFFF086;
	s6 =	sadd.s32 @!p0 s3, s7;
	s7 =	simm.s32 @!p0 $0x108  }
0x21: {  	s3 =	sadd.s32 s3, s9;
	s6 =	sadd.s32 @!p0 $0x88, s6;
	s7 =	simm.s32 @p2 $0x1082  }
0x22: {  	[simem:s7], [sflag:s8] =	dma.local @!p0 [hbm:s6], $0xF7A  }
0x23: {  	s9 =	sor.u32 $0xD0000000, s2;
	s6 =	simm.s32 $0x108;
	_ =	swait.ge @!p0 [sflag:s8], $0x0  }
0x24: {  	s3 =	sadd.s32 $0x88, s3;
	s6 =	simm.s32 @!p1 $0x1082;
	[sflag:s4] =	ssyncset.s32 $0xFFFFF086  }
0x25: {  	[simem:s6], [sflag:s4] =	dma.local [hbm:s3], $0xF7A  }
0x26: {  	[smem:$0x3F9E] =	sst s1;
	(tag) =	ssettag s2;
	_ =	strace s9  }
0x27: {  	s1 =	sld [smem:$0x3FAE]  }
0x28: {  	s2 =	sld [smem:$0x3FAF]  }
0x29: {  	s4 =	sld [smem:$0x3FB1]  }
0x2a: {  	p0 =	seq.s32 s5, $0x0;
	s5 =	sld [smem:$0x3FB2]  }
0x2b: {  	s6 =	sld [smem:$0x3FB3]  }
0x2c: {  	s7 =	sld [smem:$0x3FB4]  }
0x2d: {  	s3 =	simm.s32 $0x108;
	s8 =	sld [smem:$0x3FB5]  }
0x2e: {  	s3 =	simm.s32 @!p0 $0x1082;
	s9 =	sld [smem:$0x3FB6]  }
0x2f: {  	lr =	sadd.s32 s0, s3;
	s0 =	sld [smem:$0x3FAD]  }
0x30: {  	s3 =	sld [smem:$0x3FB0]  }
0x31: {  	[smem:$0x3FB9] =	sst s10  }
0x32: {  	s10 =	sld [smem:$0x3FB7];
	_ =	sdelay $0x3  }
0x33: {  	p0 =	seq.s32 s10, $0x1;
	s10 =	sld [smem:$0x3FB9];
	_ =	sdelay $0x3  }
0x34: {  	[smem:$0x3FB9] =	sst s10  }
0x35: {  	s10 =	sld [smem:$0x3FB8];
	_ =	sdelay $0x3  }
0x36: {  	p1 =	seq.s32 s10, $0x1;
	s10 =	sld [smem:$0x3FB9];
	_ =	sdelay $0x3  }
0x37: {  	[smem:$0x3FB9] =	sst s10  }
0x38: {  	s10 =	sld [smem:$0x3FBA]  }
0x39: {  	_ = 	snop;
	(pc) =	sbr.ind lr, $3  }
0x3a: {  	_ = 	snop  }
0x3b: {  	_ = 	snop  }
0x3c: {  	p2 =	seq.s32 s10, $0x1;
	s10 =	sld [smem:$0x3FB9]  }
0x3d: {  	_ =	shalt  }
0x3e: {  	_ =	shalt  }
0x3f: {  	_ =	shalt  }
0x40: {  	_ =	shalt  }
0x41: {  	_ =	shalt  }
0x42: {  	_ =	shalt  }
0x43: {  	_ =	shalt  }
0x44: {  	_ =	shalt  }
0x45: {  	_ =	shalt  }
0x46: {  	_ =	shalt  }
0x47: {  	_ =	shalt  }
0x48: {  	_ =	shalt  }
0x49: {  	_ =	shalt  }
0x4a: {  	_ =	shalt  }
0x4b: {  	_ =	shalt  }
0x4c: {  	_ =	shalt  }
0x4d: {  	_ =	shalt  }
0x4e: {  	_ =	shalt  }
0x4f: {  	_ =	shalt  }
0x50: {  	_ =	shalt  }
0x51: {  	_ =	shalt  }
0x52: {  	_ =	shalt  }
0x53: {  	_ =	shalt  }
0x54: {  	_ =	shalt  }
0x55: {  	_ =	shalt  }
0x56: {  	_ =	shalt  }
0x57: {  	_ =	shalt  }
0x58: {  	_ =	shalt  }
0x59: {  	_ =	shalt  }
0x5a: {  	_ =	shalt  }
0x5b: {  	_ =	shalt  }
0x5c: {  	_ =	shalt  }
0x5d: {  	_ =	shalt  }
0x5e: {  	_ =	shalt  }
0x5f: {  	_ =	shalt  }
0x60: {  	_ =	shalt  }
0x61: {  	_ =	shalt  }
0x62: {  	_ =	shalt  }
0x63: {  	_ =	shalt  }
0x64: {  	_ =	shalt  }
0x65: {  	_ =	shalt  }
0x66: {  	_ =	shalt  }
0x67: {  	_ =	shalt  }
0x68: {  	_ =	shalt  }
0x69: {  	_ =	shalt  }
0x6a: {  	_ =	shalt  }
0x6b: {  	_ =	shalt  }
0x6c: {  	_ =	shalt  }
0x6d: {  	_ =	shalt  }
0x6e: {  	_ =	shalt  }
0x6f: {  	_ =	shalt  }
0x70: {  	_ =	shalt  }
0x71: {  	_ =	shalt  }
0x72: {  	_ =	shalt  }
0x73: {  	_ =	shalt  }
0x74: {  	_ =	shalt  }
0x75: {  	_ =	shalt  }
0x76: {  	_ =	shalt  }
0x77: {  	_ =	shalt  }
0x78: {  	_ =	shalt  }
0x79: {  	_ =	shalt  }
0x7a: {  	_ =	shalt  }
0x7b: {  	_ =	shalt  }
0x7c: {  	_ =	shalt  }
0x7d: {  	_ =	shalt  }
0x7e: {  	_ =	shalt  }
0x7f: {  	_ =	shalt  }
0x80: {  	_ =	shalt  }
0x81: {  	_ =	shalt  }
0x82: {  	_ =	shalt  }
0x83: {  	_ =	shalt  }
0x84: {  	_ =	shalt  }
0x85: {  	_ =	shalt  }
0x86: {  	_ =	shalt  }
0x87: {  	_ =	shalt  }
.Lfunc_end0:
.L_simem_size_0:
called_computation_lowered:
.L_overlay_start_0:
0x88: {  	s2 =	sld [smem:$0x3FD9]  }
0x89: {  	s3 =	sld [smem:$0x3FFE];
	_ =	sdelay $0x1  }
0x8a: {  	s1 =	srdreg.scid  }
0x8b: {  	s0 =	sand.u32 $0x1, s1  }
0x8c: {  	s17 =	sshll.u32 s0, $0xA;
	s2 =	sadd.s32 s3, s2  }
0x8d: {  	s2 =	sadd.s32 s2, s17  }
0x8e: {  	[smem:$0x3FC5] =	sst s2  }
0x8f: {  	_ = 	snop  }
0x90: {  	s2 =	sld [smem:$0x3FD0];
	(tm) =	ssettm $0x1  }
0x91: {  	s18 =	sld [smem:$0x3FFB];
	_ =	sdelay $0x3  }
0x92: {  	_ =	strace s18  }
0x93: {  	s3 =	sld [smem:$0x3FFC];
	_ =	sdelay $0x3  }
0x94: {  	_ =	strace s3  }
0x95: {  	s3 =	sld [smem:$0x3FFD];
	_ =	sdelay $0x3  }
0x96: {  	_ =	strace s3  }
0x97: {  	_ =	strace $0x8FFFFFFF  }
0x98: {  	s19 =	sld [smem:$0x3FDB];
	_ =	sdelay $0x1  }
0x99: {  	s4 =	simm.s32 $_scs_section_size  }
0x9a: {  	s5 =	simm.s32 $_size__tile_overlayer_lowered;
	s6 =	simm.s32 $_tile_overlayer_lowered  }
0x9b: {  	s22 =	simm.s32 $0x1BFF;
	s21 =	sshll.u32 s6, $0x1;
	s3 =	sadd.s32 s4, s19  }
0x9c: {  	s7 =	simm.s32 $0x0;
	s20 =	sshll.u32 s5, $0x1;
	s5 =	sadd.s32 s21, s3  }
0x9d: {  	[timem:s7], [sflag:s22] =	dma.local [hbm:s5], s20  }
0x9e: {  	_ =	swait.ge [sflag:s22], s20  }
0x9f: {  	s4 =	ssub.s32 $0x0, s20;
	[sflag:s22] =	ssyncset.done $0x0  }
0xa0: {  	[sflag:s22] =	ssyncadd.s32 s4;
	_ =	sdelay $0x1  }
0xa1: {  	s23 =	simm.s32 $0x1B8B  }
0xa2: {  	_ =	swait.ge [sflag:s23], $0x1  }
0xa3: {  	[sflag:s23] =	ssyncset.done $0x0  }
0xa4: {  	s25 =	simm.s32 $0x1B8E;
	s24 =	sld [smem:$0x3FFE];
	[sflag:s23] =	ssyncadd.s32 $0xFFFFFFFF  }
0xa5: {  	s26 =	simm.s32 $execute0_lowered;
	[smem:$0x3FD2] =	sst s25  }
0xa6: {  	s5 =	sshll.u32 s26, $0x1;
	_ =	strace $0x80000046;
	[dreg:$0x1] =	wrdreg $0xFFFFFFFF  }
0xa7: {  	s28 =	simm.s32 $_size_execute0_lowered;
	s3 =	sadd.s32 s3, s5;
	[dreg:$0x0] =	wrdreg $0x0  }
0xa8: {  	s5 =	sshll.u32 s28, $0x1;
	[dreg:$0x2] =	wrdreg s3  }
0xa9: {  	[dreg:$0x3] =	wrdreg s5  }
0xaa: {  	[dreg:$0x4] =	wrdreg $0xC0  }
0xab: {  	_ =	task [dreg:s7], $0x5FFFF  }
0xac: {  	[dreg:$0x1] =	wrdreg $0xFFFFFFFF  }
0xad: {  	[dreg:$0x0] =	wrdreg $0x60  }
0xae: {  	[dreg:$0x2] =	wrdreg s2  }
0xaf: {  	[dreg:$0x3] =	wrdreg s24  }
0xb0: {  	[dreg:$0x4] =	wrdreg $0xD1000  }
0xb1: {  	[dreg:$0x5] =	wrdreg $0x1D1000  }
0xb2: {  	[dreg:$0x6] =	wrdreg $0x9  }
0xb3: {  	_ =	task.clear_ibuf [dreg:s7], $0x7FFFF;
	_ =	strace $0x90000046  }
0xb4: {  	s29 =	simm.s32 $0x9;
	_ =	strace $0x80000048  }
0xb5: {  	_ =	swait.ge [sflag:s29], $0x1  }
0xb6: {  	[sflag:s29] =	ssyncadd.s32 $0xFFFFFFFF  }
0xb7: {  	_ =	strace $0x90000048  }
0xb8: {  	_ =	sfence  }
0xb9: {  	s30 =	sld [smem:$0x0];
	_ =	sdelay $0x2  }
0xba: {  	s31 =	sshll.u32 s1, $0xD;
	s1 =	sshrl.u32 s1, $0x2  }
0xbb: {  	s3 =	sand.u32 $0x4000, s31;
	s1 =	sadd.s32 s1, s30  }
0xbc: {  	s0 =	sor.u32 s3, s0;
	s1 =	sshll.u32 s1, $0x11  }
0xbd: {  	s0 =	sor.u32 s1, s0  }
0xbe: {  	s0 =	sadd.s32 $0x8F2B, s0  }
0xbf: {  	[sflag:s0] =	ssyncadd.remote.s32 $0x1  }
0xc0: {  	_ =	sfence.sel $0xFFFF  }
0xc1: {  	[dreg:$0x0] =	wrdreg $0xFFFFFFFF;
	(pc) =	sbr.abs _section_cstart, $3  }
0xc2: {  	[dreg:$0x1] =	wrdreg $0xFFFFFFFF  }
0xc3: {  	_ =	task.clear_ibuf [dreg:s7], $0x2FFFF;
	_ =	strace $0x9FFFFFFF  }
0xc4: {  	(tm) =	ssettm $0x7FFFFFFF  }
0xc5: {  	_ =	shalt  }
tec
execute0_lowered:
.L_overlay_start_1:
0x0: {  	(tag) =	ssettag $0x1  }
0x1: {  	s0 =	rddreg [dreg:$0x0]  }
0x2: {  	s2 =	rddreg [dreg:$0x1]  }
0x3: {  	s1 =	rddreg [dreg:$0x2]  }
0x4: {  	s11 =	rddreg [dreg:$0x3];
	s4 =	simm.s32 $0x0  }
0x5: {  	s10 =	stileid.u32;
	s3 =	srdreg.scid;
	s29 =	simm.s32 $0xC080  }
0x6: {  	s30 =	simm.s32 $0x1;
	s31 =	simm.s32 $0xB800;
	s28 =	simm.s32 $0xD080  }
0x7: {  	[smem:$0x7FF] =	sst s4;
	s3 =	sand.u32 $0x1, s3;
	s5 =	sshll.u32 s10, $0x1  }
0x8: {  	s6 =	sshll.u32 s10, $0x9;
	s23 =	sshll.u32 s10, $0x10;
	s10 =	sshll.u32 s10, $0x7  }
0x9: {  	_ =	strace $0x80000047;
	s5 =	sor.u32 s3, s5;
	s3 =	ssub.s32 $0x2, s3  }
0xa: {  	s7 =	sadd.s32 s6, s2;
	s0 =	sadd.s32 s0, s6;
	s8 =	sshll.u32 s5, $0x8  }
0xb: {  	s9 =	sshrl.u32 s3, $0x1;
	[dreg:$0x5] =	wrdreg s0;
	s24 =	sadd.s32 $0xA00, s7  }
0xc: {  	s7 =	sadd.s32 s23, s1;
	s0 =	simm.s32 $0x4;
	s2 =	sadd.s32 s8, s2  }
0xd: {  	s3 =	ssub.s32 s3, s9;
	[dreg:$0x6] =	wrdreg s24;
	s25 =	sadd.s32 $0x1000, s7  }
0xe: {  	s26 =	sadd.s32 $0x2000, s7;
	s6 =	sadd.s32 $0x3000, s7;
	s8 =	sadd.s32 $0x4000, s7  }
0xf: {  	s12 =	sadd.s32 $0x5000, s7;
	s13 =	sadd.s32 $0x6000, s7;
	s14 =	sadd.s32 $0x7000, s7  }
0x10: {  	s15 =	sadd.s32 $0x8000, s7;
	s16 =	sadd.s32 $0x9000, s7;
	s17 =	sadd.s32 $0xA000, s7  }
0x11: {  	s18 =	sadd.s32 $0xB000, s7;
	s19 =	sadd.s32 $0xC000, s7;
	[dreg:$0x7] =	wrdreg s25  }
0x12: {  	s20 =	sadd.s32 $0xD000, s7;
	s21 =	sadd.s32 $0xE000, s7;
	[dreg:$0x8] =	wrdreg s26  }
0x13: {  	s9 =	sshll.u32 s5, $0xF;
	s5 =	simm.s32 $0x3;
	[dreg:$0x9] =	wrdreg s6  }
0x14: {  	[dreg:$0xa] =	wrdreg s8;
	s22 =	sadd.s32 s9, s1;
	s23 =	sadd.s32 $0x2A00, s2  }
0x15: {  	s24 =	smax.u32 s3, $0x1;
	s25 =	sadd.s32 $0xF000, s7;
	s26 =	sadd.s32 s10, s11  }
0x16: {  	v1 =	vimm.f32 $0.0e+00;
	v2 =	vimm.f32 $1.000000000e+00;
	v0 =	vmov s10;
	s2 =	simm.s32 $0x2;
	s3 =	simm.s32 $0x80;
	s6 =	simm.s32 $0x0  }
.LBB2_1:
0x17: {  	s8 =	rddreg [dreg:$0x5]  }
0x18: {  	[tilespmem:s4], [sflag:$0x1] =	stream.linear.gather [hbm4b:s8+s4], $0x1000, $0x38;
	[tilespmem:$0x1D180] =	vst v63  }
0x19: {  	s11 =	rddreg [dreg:$0x6];
	s9 =	simm.s32 $0x1000  }
0x1a: {  	[tilespmem:s9], [sflag:$0x1] =	stream.linear.gather [hbm4b:s11+s4], $0x1000, $0x38;
	[tilespmem:$0x1D180] =	vst v63  }
0x1b: {  	s8 =	simm.s32 $0x0;
	s9 =	simm.s32 $0x200  }
.LBB2_2:
0x1c: {  	p0 =	sne.s32 s9, $0x3E00;
	[tilespmem:s8+$0xC0F0] =	vst v1  }
0x1d: {  	[tilespmem:s8+$0xC080] =	vst v1  }
0x1e: {  	[tilespmem:s8+$0xC090] =	vst v1  }
.Ltmp0:
0x1f: {  	[tilespmem:s8+$0xC0A0] =	vst v1;
	(pc) =	sbr.rel @p0 .LBB2_2-.Ltmp0, $4  }
0x20: {  	[tilespmem:s8+$0xC0B0] =	vst v1  }
0x21: {  	[tilespmem:s8+$0xC0C0] =	vst v1  }
0x22: {  	[tilespmem:s8+$0xC0D0] =	vst v1  }
0x23: {  	[tilespmem:s8+$0xC0E0] =	vst v1;
	s8 =	sshra.s32 s9, $0x2;
	s9 =	sadd.s32 $0x200, s9  }
0x24: {  	[tilespmem:s8+$0xC0F0] =	vst v1  }
0x25: {  	[tilespmem:s8+$0xC080] =	vst v1  }
0x26: {  	[tilespmem:s8+$0xC090] =	vst v1  }
0x27: {  	[tilespmem:s8+$0xC0A0] =	vst v1  }
0x28: {  	[tilespmem:s8+$0xC0B0] =	vst v1  }
0x29: {  	[tilespmem:s8+$0xC0C0] =	vst v1  }
0x2a: {  	[tilespmem:s8+$0xC0D0] =	vst v1  }
0x2b: {  	[tilespmem:s8+$0xC0E0] =	vst v1  }
0x2c: {  	[tilespmem:$0xB800] =	vst v1  }
0x2d: {  	[tilespmem:$0xD080] =	vst v2  }
0x2e: {  	[tilespmem:$0xB810] =	vst v1  }
0x2f: {  	[tilespmem:$0xD090] =	vst v2  }
0x30: {  	[tilespmem:$0xB820] =	vst v1  }
0x31: {  	[tilespmem:$0xD0A0] =	vst v2  }
0x32: {  	[tilespmem:$0xB830] =	vst v1  }
0x33: {  	[tilespmem:$0xD0B0] =	vst v2  }
0x34: {  	[tilespmem:$0xB840] =	vst v1  }
0x35: {  	[tilespmem:$0xD0C0] =	vst v2  }
0x36: {  	[tilespmem:$0xB850] =	vst v1  }
0x37: {  	[tilespmem:$0xD0D0] =	vst v2  }
0x38: {  	[tilespmem:$0xB860] =	vst v1  }
0x39: {  	[tilespmem:$0xD0E0] =	vst v2  }
0x3a: {  	[tilespmem:$0xB870] =	vst v1  }
0x3b: {  	[tilespmem:$0xD0F0] =	vst v2  }
0x3c: {  	[spmem:s7] =	stream.linear.scatter [tilespmem:s29], [sflag:$0x2], $0x1000, $0x38;
	[tilespmem:$0x1D180] =	vst v63  }
0x3d: {  	s11 =	rddreg [dreg:$0x7]  }
0x3e: {  	[spmem:s11] =	stream.linear.scatter [tilespmem:s29], [sflag:$0x2], $0x1000, $0x38;
	[tilespmem:$0x1D180] =	vst v63  }
0x3f: {  	s9 =	rddreg [dreg:$0x8]  }
0x40: {  	[spmem:s9] =	stream.linear.scatter [tilespmem:s29], [sflag:$0x2], $0x1000, $0x38;
	[tilespmem:$0x1D180] =	vst v63  }
0x41: {  	s10 =	rddreg [dreg:$0x9]  }
0x42: {  	[spmem:s10] =	stream.linear.scatter [tilespmem:s29], [sflag:$0x2], $0x1000, $0x38;
	[tilespmem:$0x1D180] =	vst v63  }
0x43: {  	s11 =	rddreg [dreg:$0xa]  }
0x44: {  	[spmem:s11] =	stream.linear.scatter [tilespmem:s29], [sflag:$0x2], $0x1000, $0x38;
	[tilespmem:$0x1D180] =	vst v63  }
0x45: {  	_ = 	snop  }
0x46: {  	[spmem:s12] =	stream.linear.scatter [tilespmem:s29], [sflag:$0x2], $0x1000, $0x38;
	[tilespmem:$0x1D180] =	vst v63  }
0x47: {  	_ = 	snop  }
0x48: {  	[spmem:s13] =	stream.linear.scatter [tilespmem:s29], [sflag:$0x2], $0x1000, $0x38;
	[tilespmem:$0x1D180] =	vst v63  }
0x49: {  	_ = 	snop  }
0x4a: {  	[spmem:s14] =	stream.linear.scatter [tilespmem:s29], [sflag:$0x2], $0x1000, $0x38;
	[tilespmem:$0x1D180] =	vst v63  }
0x4b: {  	_ = 	snop  }
0x4c: {  	[spmem:s15] =	stream.linear.scatter [tilespmem:s29], [sflag:$0x2], $0x1000, $0x38;
	[tilespmem:$0x1D180] =	vst v63  }
0x4d: {  	_ = 	snop  }
0x4e: {  	[spmem:s16] =	stream.linear.scatter [tilespmem:s29], [sflag:$0x2], $0x1000, $0x38;
	[tilespmem:$0x1D180] =	vst v63  }
0x4f: {  	_ = 	snop  }
0x50: {  	[spmem:s17] =	stream.linear.scatter [tilespmem:s29], [sflag:$0x2], $0x1000, $0x38;
	[tilespmem:$0x1D180] =	vst v63  }
0x51: {  	_ = 	snop  }
0x52: {  	[spmem:s18] =	stream.linear.scatter [tilespmem:s29], [sflag:$0x2], $0x1000, $0x38;
	[tilespmem:$0x1D180] =	vst v63  }
0x53: {  	_ = 	snop  }
0x54: {  	[spmem:s19] =	stream.linear.scatter [tilespmem:s29], [sflag:$0x2], $0x1000, $0x38;
	[tilespmem:$0x1D180] =	vst v63  }
0x55: {  	_ = 	snop  }
0x56: {  	[spmem:s20] =	stream.linear.scatter [tilespmem:s29], [sflag:$0x2], $0x1000, $0x38;
	[tilespmem:$0x1D180] =	vst v63  }
0x57: {  	_ = 	snop  }
0x58: {  	[spmem:s21] =	stream.linear.scatter [tilespmem:s29], [sflag:$0x2], $0x1000, $0x38;
	[tilespmem:$0x1D180] =	vst v63  }
0x59: {  	_ = 	snop  }
0x5a: {  	[spmem:s25] =	stream.linear.scatter [tilespmem:s29], [sflag:$0x2], $0x1000, $0x38;
	[tilespmem:$0x1D180] =	vst v63  }
0x5b: {  	_ =	swait.ge [sflag:s30], $0x1000  }
0x5c: {  	[sflag:s30] =	ssyncset.done $0x0  }
0x5d: {  	[sflag:s30] =	ssyncadd.s32 $0xFFFFF000  }
0x5e: {  	_ =	swait.ge [sflag:s30], $0x1000  }
0x5f: {  	[sflag:s30] =	ssyncset.done $0x0  }
0x60: {  	s8 =	simm.s32 $0x0;
	[sflag:s30] =	ssyncadd.s32 $0xFFFFF000  }
0x61: {  	v3 =	vld [tilespmem:s8+$0x0]  }
0x62: {  	v4 =	vld [tilespmem:s8+$0x1000];
	_ =	sdelay $0x4  }
0x63: {  	v3 =	vshll.u32 v3, $0xB;
	v5 =	vadd.s32 v0, v4  }
0x64: {  	v3 =	vadd.s32 v3, v5  }
0x65: {  	[tilespmem:s8+$0x2000] =	vst v3  }
0x66: {  	[tilespmem:v4+s31+$0x0] =	vst.idx.add.f32.msk $0xffff, v2  }
0x67: {  	v3 =	vld [tilespmem:s8+$0x10]  }
0x68: {  	v4 =	vld [tilespmem:s8+$0x1010];
	_ =	sdelay $0x4  }
0x69: {  	v3 =	vshll.u32 v3, $0xB;
	v5 =	vadd.s32 v0, v4  }
0x6a: {  	v3 =	vadd.s32 v3, v5  }
0x6b: {  	[tilespmem:s8+$0x2010] =	vst v3  }
0x6c: {  	[tilespmem:v4+s31+$0x0] =	vst.idx.add.f32.msk $0xffff, v2  }
0x6d: {  	v3 =	vld [tilespmem:s8+$0x20]  }
0x6e: {  	v4 =	vld [tilespmem:s8+$0x1020];
	_ =	sdelay $0x4  }
0x6f: {  	v3 =	vshll.u32 v3, $0xB;
	v5 =	vadd.s32 v0, v4  }
0x70: {  	v3 =	vadd.s32 v3, v5  }
0x71: {  	[tilespmem:s8+$0x2020] =	vst v3  }
0x72: {  	[tilespmem:v4+s31+$0x0] =	vst.idx.add.f32.msk $0xffff, v2  }
0x73: {  	v3 =	vld [tilespmem:s8+$0x30]  }
0x74: {  	v4 =	vld [tilespmem:s8+$0x1030];
	_ =	sdelay $0x4  }
0x75: {  	v3 =	vshll.u32 v3, $0xB;
	v5 =	vadd.s32 v0, v4  }
0x76: {  	v3 =	vadd.s32 v3, v5  }
0x77: {  	[tilespmem:s8+$0x2030] =	vst v3  }
0x78: {  	[tilespmem:v4+s31+$0x0] =	vst.idx.add.f32.msk $0xffff, v2  }
0x79: {  	v3 =	vld [tilespmem:s8+$0x40]  }
0x7a: {  	v4 =	vld [tilespmem:s8+$0x1040];
	_ =	sdelay $0x4  }
0x7b: {  	v3 =	vshll.u32 v3, $0xB;
	v5 =	vadd.s32 v0, v4  }
0x7c: {  	v3 =	vadd.s32 v3, v5  }
0x7d: {  	[tilespmem:s8+$0x2040] =	vst v3  }
0x7e: {  	[tilespmem:v4+s31+$0x0] =	vst.idx.add.f32.msk $0xffff, v2  }
0x7f: {  	v3 =	vld [tilespmem:s8+$0x50]  }
0x80: {  	v4 =	vld [tilespmem:s8+$0x1050];
	_ =	sdelay $0x4  }
0x81: {  	v3 =	vshll.u32 v3, $0xB;
	v5 =	vadd.s32 v0, v4  }
0x82: {  	v3 =	vadd.s32 v3, v5  }
0x83: {  	[tilespmem:s8+$0x2050] =	vst v3  }
0x84: {  	[tilespmem:v4+s31+$0x0] =	vst.idx.add.f32.msk $0xffff, v2  }
0x85: {  	v3 =	vld [tilespmem:s8+$0x60]  }
0x86: {  	v4 =	vld [tilespmem:s8+$0x1060];
	_ =	sdelay $0x4  }
0x87: {  	v3 =	vshll.u32 v3, $0xB;
	v5 =	vadd.s32 v0, v4  }
0x88: {  	v3 =	vadd.s32 v3, v5  }
0x89: {  	[tilespmem:s8+$0x2060] =	vst v3  }
0x8a: {  	[tilespmem:v4+s31+$0x0] =	vst.idx.add.f32.msk $0xffff, v2  }
0x8b: {  	s9 =	simm.s32 $0x200;
	v3 =	vld [tilespmem:s8+$0x70]  }
.LBB2_4:
0x8c: {  	p0 =	sne.s32 s9, $0x3E00;
	v4 =	vld [tilespmem:s8+$0x1070];
	s10 =	smov.u32 s9;
	s9 =	sadd.s32 $0x200, s9  }
0x8d: {  	_ =	sdelay $0x2  }
0x8e: {  	v3 =	vshll.u32 v3, $0xB  }
0x8f: {  	v5 =	vadd.s32 v0, v4  }
0x90: {  	v3 =	vadd.s32 v3, v5  }
0x91: {  	[tilespmem:s8+$0x2070] =	vst v3  }
0x92: {  	s8 =	sshra.s32 s10, $0x2;
	[tilespmem:v4+s31+$0x0] =	vst.idx.add.f32.msk $0xffff, v2  }
0x93: {  	v3 =	vld [tilespmem:s8+$0x0]  }
0x94: {  	v4 =	vld [tilespmem:s8+$0x1000];
	_ =	sdelay $0x3  }
0x95: {  	v3 =	vshll.u32 v3, $0xB  }
0x96: {  	v5 =	vadd.s32 v0, v4  }
0x97: {  	v3 =	vadd.s32 v3, v5  }
0x98: {  	[tilespmem:s8+$0x2000] =	vst v3  }
0x99: {  	[tilespmem:v4+s31+$0x0] =	vst.idx.add.f32.msk $0xffff, v2  }
0x9a: {  	v3 =	vld [tilespmem:s8+$0x10]  }
0x9b: {  	v4 =	vld [tilespmem:s8+$0x1010];
	_ =	sdelay $0x3  }
0x9c: {  	v3 =	vshll.u32 v3, $0xB  }
0x9d: {  	v5 =	vadd.s32 v0, v4  }
0x9e: {  	v3 =	vadd.s32 v3, v5  }
0x9f: {  	[tilespmem:s8+$0x2010] =	vst v3  }
0xa0: {  	[tilespmem:v4+s31+$0x0] =	vst.idx.add.f32.msk $0xffff, v2  }
0xa1: {  	v3 =	vld [tilespmem:s8+$0x20]  }
0xa2: {  	v4 =	vld [tilespmem:s8+$0x1020];
	_ =	sdelay $0x3  }
0xa3: {  	v3 =	vshll.u32 v3, $0xB  }
0xa4: {  	v5 =	vadd.s32 v0, v4  }
0xa5: {  	v3 =	vadd.s32 v3, v5  }
0xa6: {  	[tilespmem:s8+$0x2020] =	vst v3  }
0xa7: {  	[tilespmem:v4+s31+$0x0] =	vst.idx.add.f32.msk $0xffff, v2  }
0xa8: {  	v3 =	vld [tilespmem:s8+$0x30]  }
0xa9: {  	v4 =	vld [tilespmem:s8+$0x1030];
	_ =	sdelay $0x3  }
0xaa: {  	v3 =	vshll.u32 v3, $0xB  }
0xab: {  	v5 =	vadd.s32 v0, v4  }
0xac: {  	v3 =	vadd.s32 v3, v5  }
0xad: {  	[tilespmem:s8+$0x2030] =	vst v3  }
0xae: {  	[tilespmem:v4+s31+$0x0] =	vst.idx.add.f32.msk $0xffff, v2  }
0xaf: {  	v3 =	vld [tilespmem:s8+$0x40]  }
0xb0: {  	v4 =	vld [tilespmem:s8+$0x1040];
	_ =	sdelay $0x3  }
0xb1: {  	v3 =	vshll.u32 v3, $0xB  }
0xb2: {  	v5 =	vadd.s32 v0, v4  }
0xb3: {  	v3 =	vadd.s32 v3, v5  }
0xb4: {  	[tilespmem:s8+$0x2040] =	vst v3  }
0xb5: {  	[tilespmem:v4+s31+$0x0] =	vst.idx.add.f32.msk $0xffff, v2  }
0xb6: {  	v3 =	vld [tilespmem:s8+$0x50]  }
0xb7: {  	v4 =	vld [tilespmem:s8+$0x1050];
	_ =	sdelay $0x3  }
0xb8: {  	v3 =	vshll.u32 v3, $0xB  }
0xb9: {  	v5 =	vadd.s32 v0, v4  }
0xba: {  	v3 =	vadd.s32 v3, v5  }
0xbb: {  	[tilespmem:s8+$0x2050] =	vst v3  }
0xbc: {  	[tilespmem:v4+s31+$0x0] =	vst.idx.add.f32.msk $0xffff, v2  }
0xbd: {  	v3 =	vld [tilespmem:s8+$0x60]  }
0xbe: {  	v4 =	vld [tilespmem:s8+$0x1060];
	_ =	sdelay $0x3  }
0xbf: {  	v3 =	vshll.u32 v3, $0xB  }
.Ltmp1:
0xc0: {  	v5 =	vadd.s32 v0, v4;
	(pc) =	sbr.rel @p0 .LBB2_4-.Ltmp1, $4  }
0xc1: {  	v3 =	vadd.s32 v3, v5  }
0xc2: {  	[tilespmem:s8+$0x2060] =	vst v3  }
0xc3: {  	[tilespmem:v4+s31+$0x0] =	vst.idx.add.f32.msk $0xffff, v2  }
0xc4: {  	v3 =	vld [tilespmem:s8+$0x70]  }
0xc5: {  	v4 =	vld [tilespmem:s8+$0x1070];
	_ =	sdelay $0x4  }
0xc6: {  	v3 =	vshll.u32 v3, $0xB;
	v5 =	vadd.s32 v0, v4  }
0xc7: {  	v3 =	vadd.s32 v3, v5  }
0xc8: {  	[tilespmem:s8+$0x2070] =	vst v3  }
0xc9: {  	[tilespmem:v4+s31+$0x0] =	vst.idx.add.f32.msk $0xffff, v2  }
0xca: {  	[spmem:s26] =	stream.linear.scatter [tilespmem:s31], [sflag:$0x4], $0x80, $0x38;
	[tilespmem:$0x1D180] =	vst v63  }
0xcb: {  	_ =	swait.ge [sflag:s0], $0x80  }
0xcc: {  	[sflag:s0] =	ssyncset.done $0x0  }
0xcd: {  	[sflag:s0] =	ssyncadd.s32 $0xFFFFFF80  }
0xce: {  	_ =	swait.ge [sflag:s2], $0x1000  }
0xcf: {  	[sflag:s2] =	ssyncset.done $0x0  }
0xd0: {  	[sflag:s2] =	ssyncadd.s32 $0xFFFFF000  }
0xd1: {  	_ =	swait.ge [sflag:s2], $0x1000  }
0xd2: {  	[sflag:s2] =	ssyncset.done $0x0  }
0xd3: {  	[sflag:s2] =	ssyncadd.s32 $0xFFFFF000  }
0xd4: {  	_ =	swait.ge [sflag:s2], $0x1000  }
0xd5: {  	[sflag:s2] =	ssyncset.done $0x0  }
0xd6: {  	[sflag:s2] =	ssyncadd.s32 $0xFFFFF000  }
0xd7: {  	_ =	swait.ge [sflag:s2], $0x1000  }
0xd8: {  	[sflag:s2] =	ssyncset.done $0x0  }
0xd9: {  	[sflag:s2] =	ssyncadd.s32 $0xFFFFF000  }
0xda: {  	_ =	swait.ge [sflag:s2], $0x1000  }
0xdb: {  	[sflag:s2] =	ssyncset.done $0x0  }
0xdc: {  	[sflag:s2] =	ssyncadd.s32 $0xFFFFF000  }
0xdd: {  	_ =	swait.ge [sflag:s2], $0x1000  }
0xde: {  	[sflag:s2] =	ssyncset.done $0x0  }
0xdf: {  	[sflag:s2] =	ssyncadd.s32 $0xFFFFF000  }
0xe0: {  	_ =	swait.ge [sflag:s2], $0x1000  }
0xe1: {  	[sflag:s2] =	ssyncset.done $0x0  }
0xe2: {  	[sflag:s2] =	ssyncadd.s32 $0xFFFFF000  }
0xe3: {  	_ =	swait.ge [sflag:s2], $0x1000  }
0xe4: {  	[sflag:s2] =	ssyncset.done $0x0  }
0xe5: {  	[sflag:s2] =	ssyncadd.s32 $0xFFFFF000  }
0xe6: {  	_ =	swait.ge [sflag:s2], $0x1000  }
0xe7: {  	[sflag:s2] =	ssyncset.done $0x0  }
0xe8: {  	[sflag:s2] =	ssyncadd.s32 $0xFFFFF000  }
0xe9: {  	_ =	swait.ge [sflag:s2], $0x1000  }
0xea: {  	[sflag:s2] =	ssyncset.done $0x0  }
0xeb: {  	[sflag:s2] =	ssyncadd.s32 $0xFFFFF000  }
0xec: {  	_ =	swait.ge [sflag:s2], $0x1000  }
0xed: {  	[sflag:s2] =	ssyncset.done $0x0  }
0xee: {  	[sflag:s2] =	ssyncadd.s32 $0xFFFFF000  }
0xef: {  	_ =	swait.ge [sflag:s2], $0x1000  }
0xf0: {  	[sflag:s2] =	ssyncset.done $0x0  }
0xf1: {  	[sflag:s2] =	ssyncadd.s32 $0xFFFFF000  }
0xf2: {  	_ =	swait.ge [sflag:s2], $0x1000  }
0xf3: {  	[sflag:s2] =	ssyncset.done $0x0  }
0xf4: {  	[sflag:s2] =	ssyncadd.s32 $0xFFFFF000  }
0xf5: {  	_ =	swait.ge [sflag:s2], $0x1000  }
0xf6: {  	[sflag:s2] =	ssyncset.done $0x0  }
0xf7: {  	[sflag:s2] =	ssyncadd.s32 $0xFFFFF000  }
0xf8: {  	_ =	swait.ge [sflag:s2], $0x1000  }
0xf9: {  	[sflag:s2] =	ssyncset.done $0x0  }
0xfa: {  	[sflag:s2] =	ssyncadd.s32 $0xFFFFF000  }
0xfb: {  	_ =	swait.ge [sflag:s2], $0x1000  }
0xfc: {  	[sflag:s2] =	ssyncset.done $0x0  }
0xfd: {  	[sflag:s2] =	ssyncadd.s32 $0xFFFFF000  }
0xfe: {  	s11 =	simm.s32 $0x2000;
	[bflag:$0x0] =	sbarrier.arrive $0xFFFF  }
0xff: {  	[spmem:s1] =	stream.indirect.scatter.add.f32 [tilespmem:s28], [sflag:$0x3], $0x1, s11, s3, $0xb8;
	[tilespmem:$0x1D180] =	vst v63  }
0x100: {  	s9 =	simm.s32 $0x2080  }
0x101: {  	[spmem:s1] =	stream.indirect.scatter.add.f32 [tilespmem:s28], [sflag:$0x3], $0x1, s9, s3, $0xb8;
	[tilespmem:$0x1D180] =	vst v63  }
0x102: {  	s10 =	simm.s32 $0x2100  }
0x103: {  	[spmem:s1] =	stream.indirect.scatter.add.f32 [tilespmem:s28], [sflag:$0x3], $0x1, s10, s3, $0xb8;
	[tilespmem:$0x1D180] =	vst v63  }
0x104: {  	s11 =	simm.s32 $0x2180  }
0x105: {  	[spmem:s1] =	stream.indirect.scatter.add.f32 [tilespmem:s28], [sflag:$0x3], $0x1, s11, s3, $0xb8;
	[tilespmem:$0x1D180] =	vst v63  }
0x106: {  	s9 =	simm.s32 $0x2200  }
0x107: {  	[spmem:s1] =	stream.indirect.scatter.add.f32 [tilespmem:s28], [sflag:$0x3], $0x1, s9, s3, $0xb8;
	[tilespmem:$0x1D180] =	vst v63  }
0x108: {  	s10 =	simm.s32 $0x2280  }
0x109: {  	[spmem:s1] =	stream.indirect.scatter.add.f32 [tilespmem:s28], [sflag:$0x3], $0x1, s10, s3, $0xb8;
	[tilespmem:$0x1D180] =	vst v63  }
0x10a: {  	s11 =	simm.s32 $0x2300  }
0x10b: {  	[spmem:s1] =	stream.indirect.scatter.add.f32 [tilespmem:s28], [sflag:$0x3], $0x1, s11, s3, $0xb8;
	[tilespmem:$0x1D180] =	vst v63  }
0x10c: {  	s9 =	simm.s32 $0x2380  }
0x10d: {  	[spmem:s1] =	stream.indirect.scatter.add.f32 [tilespmem:s28], [sflag:$0x3], $0x1, s9, s3, $0xb8;
	[tilespmem:$0x1D180] =	vst v63  }
0x10e: {  	s10 =	simm.s32 $0x2400  }
0x10f: {  	[spmem:s1] =	stream.indirect.scatter.add.f32 [tilespmem:s28], [sflag:$0x3], $0x1, s10, s3, $0xb8;
	[tilespmem:$0x1D180] =	vst v63  }
0x110: {  	s11 =	simm.s32 $0x2480  }
0x111: {  	[spmem:s1] =	stream.indirect.scatter.add.f32 [tilespmem:s28], [sflag:$0x3], $0x1, s11, s3, $0xb8;
	[tilespmem:$0x1D180] =	vst v63  }
0x112: {  	s9 =	simm.s32 $0x2500  }
0x113: {  	[spmem:s1] =	stream.indirect.scatter.add.f32 [tilespmem:s28], [sflag:$0x3], $0x1, s9, s3, $0xb8;
	[tilespmem:$0x1D180] =	vst v63  }
0x114: {  	s10 =	simm.s32 $0x2580  }
0x115: {  	[spmem:s1] =	stream.indirect.scatter.add.f32 [tilespmem:s28], [sflag:$0x3], $0x1, s10, s3, $0xb8;
	[tilespmem:$0x1D180] =	vst v63  }
0x116: {  	s11 =	simm.s32 $0x2600  }
0x117: {  	[spmem:s1] =	stream.indirect.scatter.add.f32 [tilespmem:s28], [sflag:$0x3], $0x1, s11, s3, $0xb8;
	[tilespmem:$0x1D180] =	vst v63  }
0x118: {  	s9 =	simm.s32 $0x2680  }
0x119: {  	[spmem:s1] =	stream.indirect.scatter.add.f32 [tilespmem:s28], [sflag:$0x3], $0x1, s9, s3, $0xb8;
	[tilespmem:$0x1D180] =	vst v63  }
0x11a: {  	s10 =	simm.s32 $0x2700  }
0x11b: {  	[spmem:s1] =	stream.indirect.scatter.add.f32 [tilespmem:s28], [sflag:$0x3], $0x1, s10, s3, $0xb8;
	[tilespmem:$0x1D180] =	vst v63  }
0x11c: {  	s11 =	simm.s32 $0x2780  }
0x11d: {  	[spmem:s1] =	stream.indirect.scatter.add.f32 [tilespmem:s28], [sflag:$0x3], $0x1, s11, s3, $0xb8;
	[tilespmem:$0x1D180] =	vst v63  }
0x11e: {  	s9 =	simm.s32 $0x2800  }
0x11f: {  	[spmem:s1] =	stream.indirect.scatter.add.f32 [tilespmem:s28], [sflag:$0x3], $0x1, s9, s3, $0xb8;
	[tilespmem:$0x1D180] =	vst v63  }
0x120: {  	s10 =	simm.s32 $0x2880  }
0x121: {  	[spmem:s1] =	stream.indirect.scatter.add.f32 [tilespmem:s28], [sflag:$0x3], $0x1, s10, s3, $0xb8;
	[tilespmem:$0x1D180] =	vst v63  }
0x122: {  	s11 =	simm.s32 $0x2900  }
0x123: {  	[spmem:s1] =	stream.indirect.scatter.add.f32 [tilespmem:s28], [sflag:$0x3], $0x1, s11, s3, $0xb8;
	[tilespmem:$0x1D180] =	vst v63  }
0x124: {  	s9 =	simm.s32 $0x2980  }
0x125: {  	[spmem:s1] =	stream.indirect.scatter.add.f32 [tilespmem:s28], [sflag:$0x3], $0x1, s9, s3, $0xb8;
	[tilespmem:$0x1D180] =	vst v63  }
0x126: {  	s10 =	simm.s32 $0x2A00  }
0x127: {  	[spmem:s1] =	stream.indirect.scatter.add.f32 [tilespmem:s28], [sflag:$0x3], $0x1, s10, s3, $0xb8;
	[tilespmem:$0x1D180] =	vst v63  }
0x128: {  	s11 =	simm.s32 $0x2A80  }
0x129: {  	[spmem:s1] =	stream.indirect.scatter.add.f32 [tilespmem:s28], [sflag:$0x3], $0x1, s11, s3, $0xb8;
	[tilespmem:$0x1D180] =	vst v63  }
0x12a: {  	s9 =	simm.s32 $0x2B00  }
0x12b: {  	[spmem:s1] =	stream.indirect.scatter.add.f32 [tilespmem:s28], [sflag:$0x3], $0x1, s9, s3, $0xb8;
	[tilespmem:$0x1D180] =	vst v63  }
0x12c: {  	s10 =	simm.s32 $0x2B80  }
0x12d: {  	[spmem:s1] =	stream.indirect.scatter.add.f32 [tilespmem:s28], [sflag:$0x3], $0x1, s10, s3, $0xb8;
	[tilespmem:$0x1D180] =	vst v63  }
0x12e: {  	s11 =	simm.s32 $0x2C00  }
0x12f: {  	[spmem:s1] =	stream.indirect.scatter.add.f32 [tilespmem:s28], [sflag:$0x3], $0x1, s11, s3, $0xb8;
	[tilespmem:$0x1D180] =	vst v63  }
0x130: {  	s9 =	simm.s32 $0x2C80  }
0x131: {  	[spmem:s1] =	stream.indirect.scatter.add.f32 [tilespmem:s28], [sflag:$0x3], $0x1, s9, s3, $0xb8;
	[tilespmem:$0x1D180] =	vst v63  }
0x132: {  	s10 =	simm.s32 $0x2D00  }
0x133: {  	[spmem:s1] =	stream.indirect.scatter.add.f32 [tilespmem:s28], [sflag:$0x3], $0x1, s10, s3, $0xb8;
	[tilespmem:$0x1D180] =	vst v63  }
0x134: {  	s11 =	simm.s32 $0x2D80  }
0x135: {  	[spmem:s1] =	stream.indirect.scatter.add.f32 [tilespmem:s28], [sflag:$0x3], $0x1, s11, s3, $0xb8;
	[tilespmem:$0x1D180] =	vst v63  }
0x136: {  	s9 =	simm.s32 $0x2E00  }
0x137: {  	[spmem:s1] =	stream.indirect.scatter.add.f32 [tilespmem:s28], [sflag:$0x3], $0x1, s9, s3, $0xb8;
	[tilespmem:$0x1D180] =	vst v63  }
0x138: {  	s10 =	simm.s32 $0x2E80  }
0x139: {  	[spmem:s1] =	stream.indirect.scatter.add.f32 [tilespmem:s28], [sflag:$0x3], $0x1, s10, s3, $0xb8;
	[tilespmem:$0x1D180] =	vst v63  }
0x13a: {  	s11 =	simm.s32 $0x2F00  }
0x13b: {  	[spmem:s1] =	stream.indirect.scatter.add.f32 [tilespmem:s28], [sflag:$0x3], $0x1, s11, s3, $0xb8;
	[tilespmem:$0x1D180] =	vst v63  }
0x13c: {  	s9 =	simm.s32 $0x2F80  }
0x13d: {  	[spmem:s1] =	stream.indirect.scatter.add.f32 [tilespmem:s28], [sflag:$0x3], $0x1, s9, s3, $0xb8;
	[tilespmem:$0x1D180] =	vst v63  }
0x13e: {  	_ =	swait.ge [sflag:s5], $0x80  }
0x13f: {  	[sflag:s5] =	ssyncset.done $0x0  }
0x140: {  	[sflag:s5] =	ssyncadd.s32 $0xFFFFFF80  }
0x141: {  	_ =	swait.ge [sflag:s5], $0x80  }
0x142: {  	[sflag:s5] =	ssyncset.done $0x0  }
0x143: {  	[sflag:s5] =	ssyncadd.s32 $0xFFFFFF80  }
0x144: {  	_ =	swait.ge [sflag:s5], $0x80  }
0x145: {  	[sflag:s5] =	ssyncset.done $0x0  }
0x146: {  	[sflag:s5] =	ssyncadd.s32 $0xFFFFFF80  }
0x147: {  	_ =	swait.ge [sflag:s5], $0x80  }
0x148: {  	[sflag:s5] =	ssyncset.done $0x0  }
0x149: {  	[sflag:s5] =	ssyncadd.s32 $0xFFFFFF80  }
0x14a: {  	_ =	swait.ge [sflag:s5], $0x80  }
0x14b: {  	[sflag:s5] =	ssyncset.done $0x0  }
0x14c: {  	[sflag:s5] =	ssyncadd.s32 $0xFFFFFF80  }
0x14d: {  	_ =	swait.ge [sflag:s5], $0x80  }
0x14e: {  	[sflag:s5] =	ssyncset.done $0x0  }
0x14f: {  	[sflag:s5] =	ssyncadd.s32 $0xFFFFFF80  }
0x150: {  	_ =	swait.ge [sflag:s5], $0x80  }
0x151: {  	[sflag:s5] =	ssyncset.done $0x0  }
0x152: {  	[sflag:s5] =	ssyncadd.s32 $0xFFFFFF80  }
0x153: {  	_ =	swait.ge [sflag:s5], $0x80  }
0x154: {  	[sflag:s5] =	ssyncset.done $0x0  }
0x155: {  	[sflag:s5] =	ssyncadd.s32 $0xFFFFFF80  }
0x156: {  	_ =	swait.ge [sflag:s5], $0x80  }
0x157: {  	[sflag:s5] =	ssyncset.done $0x0  }
0x158: {  	[sflag:s5] =	ssyncadd.s32 $0xFFFFFF80  }
0x159: {  	_ =	swait.ge [sflag:s5], $0x80  }
0x15a: {  	[sflag:s5] =	ssyncset.done $0x0  }
0x15b: {  	[sflag:s5] =	ssyncadd.s32 $0xFFFFFF80  }
0x15c: {  	_ =	swait.ge [sflag:s5], $0x80  }
0x15d: {  	[sflag:s5] =	ssyncset.done $0x0  }
0x15e: {  	[sflag:s5] =	ssyncadd.s32 $0xFFFFFF80  }
0x15f: {  	_ =	swait.ge [sflag:s5], $0x80  }
0x160: {  	[sflag:s5] =	ssyncset.done $0x0  }
0x161: {  	[sflag:s5] =	ssyncadd.s32 $0xFFFFFF80  }
0x162: {  	_ =	swait.ge [sflag:s5], $0x80  }
0x163: {  	[sflag:s5] =	ssyncset.done $0x0  }
0x164: {  	[sflag:s5] =	ssyncadd.s32 $0xFFFFFF80  }
0x165: {  	_ =	swait.ge [sflag:s5], $0x80  }
0x166: {  	[sflag:s5] =	ssyncset.done $0x0  }
0x167: {  	[sflag:s5] =	ssyncadd.s32 $0xFFFFFF80  }
0x168: {  	_ =	swait.ge [sflag:s5], $0x80  }
0x169: {  	[sflag:s5] =	ssyncset.done $0x0  }
0x16a: {  	[sflag:s5] =	ssyncadd.s32 $0xFFFFFF80  }
0x16b: {  	_ =	swait.ge [sflag:s5], $0x80  }
0x16c: {  	[sflag:s5] =	ssyncset.done $0x0  }
0x16d: {  	[sflag:s5] =	ssyncadd.s32 $0xFFFFFF80  }
0x16e: {  	_ =	swait.ge [sflag:s5], $0x80  }
0x16f: {  	[sflag:s5] =	ssyncset.done $0x0  }
0x170: {  	[sflag:s5] =	ssyncadd.s32 $0xFFFFFF80  }
0x171: {  	_ =	swait.ge [sflag:s5], $0x80  }
0x172: {  	[sflag:s5] =	ssyncset.done $0x0  }
0x173: {  	[sflag:s5] =	ssyncadd.s32 $0xFFFFFF80  }
0x174: {  	_ =	swait.ge [sflag:s5], $0x80  }
0x175: {  	[sflag:s5] =	ssyncset.done $0x0  }
0x176: {  	[sflag:s5] =	ssyncadd.s32 $0xFFFFFF80  }
0x177: {  	_ =	swait.ge [sflag:s5], $0x80  }
0x178: {  	[sflag:s5] =	ssyncset.done $0x0  }
0x179: {  	[sflag:s5] =	ssyncadd.s32 $0xFFFFFF80  }
0x17a: {  	_ =	swait.ge [sflag:s5], $0x80  }
0x17b: {  	[sflag:s5] =	ssyncset.done $0x0  }
0x17c: {  	[sflag:s5] =	ssyncadd.s32 $0xFFFFFF80  }
0x17d: {  	_ =	swait.ge [sflag:s5], $0x80  }
0x17e: {  	[sflag:s5] =	ssyncset.done $0x0  }
0x17f: {  	[sflag:s5] =	ssyncadd.s32 $0xFFFFFF80  }
0x180: {  	_ =	swait.ge [sflag:s5], $0x80  }
0x181: {  	[sflag:s5] =	ssyncset.done $0x0  }
0x182: {  	[sflag:s5] =	ssyncadd.s32 $0xFFFFFF80  }
0x183: {  	_ =	swait.ge [sflag:s5], $0x80  }
0x184: {  	[sflag:s5] =	ssyncset.done $0x0  }
0x185: {  	[sflag:s5] =	ssyncadd.s32 $0xFFFFFF80  }
0x186: {  	_ =	swait.ge [sflag:s5], $0x80  }
0x187: {  	[sflag:s5] =	ssyncset.done $0x0  }
0x188: {  	[sflag:s5] =	ssyncadd.s32 $0xFFFFFF80  }
0x189: {  	_ =	swait.ge [sflag:s5], $0x80  }
0x18a: {  	[sflag:s5] =	ssyncset.done $0x0  }
0x18b: {  	[sflag:s5] =	ssyncadd.s32 $0xFFFFFF80  }
0x18c: {  	_ =	swait.ge [sflag:s5], $0x80  }
0x18d: {  	[sflag:s5] =	ssyncset.done $0x0  }
0x18e: {  	[sflag:s5] =	ssyncadd.s32 $0xFFFFFF80  }
0x18f: {  	_ =	swait.ge [sflag:s5], $0x80  }
0x190: {  	[sflag:s5] =	ssyncset.done $0x0  }
0x191: {  	[sflag:s5] =	ssyncadd.s32 $0xFFFFFF80  }
0x192: {  	_ =	swait.ge [sflag:s5], $0x80  }
0x193: {  	[sflag:s5] =	ssyncset.done $0x0  }
0x194: {  	[sflag:s5] =	ssyncadd.s32 $0xFFFFFF80  }
0x195: {  	_ =	swait.ge [sflag:s5], $0x80  }
0x196: {  	[sflag:s5] =	ssyncset.done $0x0  }
0x197: {  	[sflag:s5] =	ssyncadd.s32 $0xFFFFFF80  }
0x198: {  	_ =	swait.ge [sflag:s5], $0x80  }
0x199: {  	[sflag:s5] =	ssyncset.done $0x0  }
0x19a: {  	[sflag:s5] =	ssyncadd.s32 $0xFFFFFF80  }
0x19b: {  	_ =	swait.ge [sflag:s5], $0x80  }
0x19c: {  	[sflag:s5] =	ssyncset.done $0x0  }
0x19d: {  	[sflag:s5] =	ssyncadd.s32 $0xFFFFFF80  }
0x19e: {  	s10 =	simm.s32 $0x3000;
	[bflag:$0x0] =	sbarrier.arrive $0xFFFF  }
0x19f: {  	[tilespmem:s10], [sflag:$0x4] =	stream.linear.gather [spmem:s22], $0x8000, $0x38;
	[tilespmem:$0x1D180] =	vst v63  }
0x1a0: {  	_ =	swait.ge [sflag:s0], $0x8000  }
0x1a1: {  	[sflag:s0] =	ssyncset.done $0x0  }
0x1a2: {  	[sflag:s0] =	ssyncadd.s32 $0xFFFF8000  }
0x1a3: {  	s9 =	simm.s32 $0xB000;
	s11 =	rddreg [dreg:$0x3]  }
0x1a4: {  	[tilespmem:s9], [sflag:$0x4] =	stream.linear.gather [spmem:s11], $0x800, $0x38;
	[tilespmem:$0x1D180] =	vst v63  }
0x1a5: {  	_ =	swait.ge [sflag:s0], $0x800  }
0x1a6: {  	[sflag:s0] =	ssyncset.done $0x0  }
0x1a7: {  	s8 =	simm.s32 $0x0;
	s9 =	simm.s32 $0x3040;
	[sflag:s0] =	ssyncadd.s32 $0xFFFFF800  }
.LBB2_6:
0x1a8: {  	v3 =	vmov s9;
	_ =	sdelay $0x3  }
0x1a9: {  	s10 =	simm.s32 $0x0  }
0x1aa: {  	v4 =	vld.idx.msk [tilespmem:v3+s10+$0xFFFFFFC0 ss:$0x1], $0xffff;
	_ =	sdelay $0x1  }
0x1ab: {  	v5 =	vld.idx.msk [tilespmem:v3+s10+$0xFFFFFFD0 ss:$0x1], $0xffff;
	_ =	sdelay $0x1  }
0x1ac: {  	v6 =	vimm.f32 $0.0e+00;
	v7 =	vld.idx.msk [tilespmem:v3+s10+$0xFFFFFFE0 ss:$0x1], $0xffff  }
0x1ad: {  	v4 =	vadd.f32 v4, v6  }
0x1ae: {  	v6 =	vld.idx.msk [tilespmem:v3+s10+$0xFFFFFFF0 ss:$0x1], $0xffff  }
0x1af: {  	v4 =	vadd.f32 v5, v4  }
0x1b0: {  	v8 =	vld.idx.msk [tilespmem:v3+s10+$0x0 ss:$0x1], $0xffff  }
0x1b1: {  	v5 =	vadd.f32 v7, v4  }
0x1b2: {  	v4 =	vld.idx.msk [tilespmem:v3+s10+$0x10 ss:$0x1], $0xffff  }
0x1b3: {  	v6 =	vadd.f32 v6, v5  }
0x1b4: {  	v5 =	vld.idx.msk [tilespmem:v3+s10+$0x20 ss:$0x1], $0xffff  }
0x1b5: {  	v7 =	vadd.f32 v8, v6  }
0x1b6: {  	s11 =	simm.s32 $0x400;
	v6 =	vld.idx.msk [tilespmem:v3+s10+$0x30 ss:$0x1], $0xffff;
	s10 =	simm.s32 $0x80  }
.LBB2_7:
0x1b7: {  	p0 =	sne.s32 s11, $0x1E00;
	v8 =	vld.idx.msk [tilespmem:v3+s10+$0xFFFFFFC0 ss:$0x1], $0xffff;
	v4 =	vadd.f32 v4, v7;
	_ =	sdelay $0x1  }
0x1b8: {  	v7 =	vld.idx.msk [tilespmem:v3+s10+$0xFFFFFFD0 ss:$0x1], $0xffff;
	v4 =	vadd.f32 v5, v4;
	_ =	sdelay $0x1  }
0x1b9: {  	v5 =	vld.idx.msk [tilespmem:v3+s10+$0xFFFFFFE0 ss:$0x1], $0xffff;
	v4 =	vadd.f32 v6, v4;
	_ =	sdelay $0x1  }
0x1ba: {  	v4 =	vadd.f32 v8, v4;
	v6 =	vld.idx.msk [tilespmem:v3+s10+$0xFFFFFFF0 ss:$0x1], $0xffff;
	_ =	sdelay $0x1  }
0x1bb: {  	v4 =	vadd.f32 v7, v4;
	v7 =	vld.idx.msk [tilespmem:v3+s10+$0x0 ss:$0x1], $0xffff;
	_ =	sdelay $0x1  }
0x1bc: {  	v5 =	vadd.f32 v5, v4;
	v4 =	vld.idx.msk [tilespmem:v3+s10+$0x10 ss:$0x1], $0xffff  }
.Ltmp2:
0x1bd: {  	(pc) =	sbr.rel @p0 .LBB2_7-.Ltmp2, $3  }
0x1be: {  	v6 =	vadd.f32 v6, v5;
	v5 =	vld.idx.msk [tilespmem:v3+s10+$0x20 ss:$0x1], $0xffff;
	_ =	sdelay $0x1  }
0x1bf: {  	v7 =	vadd.f32 v7, v6;
	v6 =	vld.idx.msk [tilespmem:v3+s10+$0x30 ss:$0x1], $0xffff  }
0x1c0: {  	s10 =	sshra.s32 s11, $0x2;
	s11 =	sadd.s32 $0x200, s11  }
0x1c1: {  	_ =	sdelay $0x2  }
0x1c2: {  	v4 =	vadd.f32 v4, v7  }
0x1c3: {  	v7 =	vld.idx.msk [tilespmem:v3+s10+$0xFFFFFFC0 ss:$0x1], $0xffff  }
0x1c4: {  	v4 =	vadd.f32 v5, v4  }
0x1c5: {  	v5 =	vld.idx.msk [tilespmem:v3+s10+$0xFFFFFFD0 ss:$0x1], $0xffff  }
0x1c6: {  	v4 =	vadd.f32 v6, v4  }
0x1c7: {  	v6 =	vld.idx.msk [tilespmem:v3+s10+$0xFFFFFFE0 ss:$0x1], $0xffff  }
0x1c8: {  	v4 =	vadd.f32 v7, v4  }
0x1c9: {  	v7 =	vld.idx.msk [tilespmem:v3+s10+$0xFFFFFFF0 ss:$0x1], $0xffff  }
0x1ca: {  	v4 =	vadd.f32 v5, v4  }
0x1cb: {  	v5 =	vld.idx.msk [tilespmem:v3+s10+$0x0 ss:$0x1], $0xffff  }
0x1cc: {  	v4 =	vadd.f32 v6, v4  }
0x1cd: {  	v6 =	vld.idx.msk [tilespmem:v3+s10+$0x10 ss:$0x1], $0xffff  }
0x1ce: {  	v4 =	vadd.f32 v7, v4  }
0x1cf: {  	v7 =	vld.idx.msk [tilespmem:v3+s10+$0x20 ss:$0x1], $0xffff  }
0x1d0: {  	v4 =	vadd.f32 v5, v4  }
0x1d1: {  	v5 =	vld.idx.msk [tilespmem:v3+s10+$0x30 ss:$0x1], $0xffff  }
0x1d2: {  	v4 =	vadd.f32 v6, v4;
	_ =	sdelay $0x1  }
0x1d3: {  	v4 =	vadd.f32 v7, v4;
	_ =	sdelay $0x1  }
0x1d4: {  	v4 =	vadd.f32 v5, v4;
	_ =	sdelay $0x1  }
0x1d5: {  	(xrf2) =	vadd.scan.msk.f32 $0xffff, v4;
	_ =	sdelay $0x1  }
0x1d6: {  	s11 =	simm.s32 $0x0  }
0x1d7: {  	v11 =	vld.idx.msk [tilespmem:v3+s11+$0xFFFFFFF0 ss:$0x1], $0xffff  }
0x1d8: {  	v12 =	vld.idx.msk [tilespmem:v3+s11+$0xFFFFFFE0 ss:$0x1], $0xffff  }
0x1d9: {  	v9 =	vld.idx.msk [tilespmem:v3+s11+$0xFFFFFFD0 ss:$0x1], $0xffff  }
0x1da: {  	v8 =	vld [tilespmem:s11+$0xB020]  }
0x1db: {  	v10 =	vld [tilespmem:s11+$0xB040]  }
0x1dc: {  	v4 =	vld [tilespmem:s11+$0xB010]  }
0x1dd: {  	v13 =	vld [tilespmem:s11+$0xB050]  }
0x1de: {  	v16 =	vld.idx.msk [tilespmem:v3+s11+$0x0 ss:$0x1], $0xffff;
	v6, _, _ =	vpop (xrf2)  }
0x1df: {  	v14 =	vld [tilespmem:s11+$0xB000];
	v7 =	vbroadcast v6, $0xF  }
0x1e0: {  	v17 =	vld.idx.msk [tilespmem:v3+s11+$0x10 ss:$0x1], $0xffff  }
0x1e1: {  	v5 =	vld [tilespmem:s11+$0xB030];
	v4 =	vadd.f32 v4, v7  }
0x1e2: {  	v18 =	vld.idx.msk [tilespmem:v3+s11+$0xFFFFFFC0 ss:$0x1], $0xffff  }
0x1e3: {  	v19 =	vld [tilespmem:s11+$0xB060];
	v8 =	vadd.f32 v8, v7;
	v4 =	vsub.f32 v4, v9  }
0x1e4: {  	v6 =	vld [tilespmem:s11+$0xB070]  }
0x1e5: {  	v10 =	vadd.f32 v10, v7;
	v15 =	vsub.f32 v8, v12;
	v8 =	vld.idx.msk [tilespmem:v3+s11+$0x30 ss:$0x1], $0xffff;
	(erf) = vrcp.f32 v4  }
0x1e6: {  	vm2 =	vgt.f32 v17, $0.0e+00;
	v4 =	vadd.f32 v5, v7;
	v5 =	vld.idx.msk [tilespmem:v3+s11+$0x20 ss:$0x1], $0xffff;
	s11 =	simm.s32 $0x80  }
0x1e7: {  	v13 =	vadd.f32 v13, v7;
	v10 =	vsub.f32 v10, v16;
	(erf) = vrcp.f32 v15;
	v20 =	vld [tilespmem:s11+$0xB010]  }
0x1e8: {  	vm5 =	vgt.f32 v9, $0.0e+00;
	v14 =	vadd.f32 v14, v7;
	v21 =	vld [tilespmem:s11+$0xB030];
	v15 =	vsub.f32 v4, v11  }
0x1e9: {  	vm4 =	vgt.f32 v11, $0.0e+00;
	v13 =	vsub.f32 v13, v17;
	v29 =	vld [tilespmem:s11+$0xB050];
	(erf) = vrcp.f32 v10  }
0x1ea: {  	v14 =	vsub.f32 v14, v18;
	v4 =	vld.idx.msk [tilespmem:v3+s11+$0xFFFFFFF0 ss:$0x1], $0xffff;
	v10 =	vadd.f32 v6, v7;
	(erf) = vrcp.f32 v15  }
0x1eb: {  	vm3 =	vgt.f32 v16, $0.0e+00;
	vm6 =	vgt.f32 v18, $0.0e+00;
	v15 =	vld [tilespmem:s11+$0xB070];
	(erf) = vrcp.f32 v13  }
0x1ec: {  	v22 =	vld [tilespmem:s11+$0xB020];
	vm1 =	vgt.f32 v8, $0.0e+00;
	v13 =	vsub.f32 v10, v8;
	(erf) = vrcp.f32 v14  }
0x1ed: {  	v25 =	vld [tilespmem:s11+$0xB060];
	v10 =	vimm.f32 $0.0e+00;
	vm0 =	vgt.f32 v5, $0.0e+00;
	v14 =	vadd.f32 v19, v7  }
0x1ee: {  	v20 =	vadd.f32 v20, v7;
	v21 =	vadd.f32 v21, v7;
	(erf) = vrcp.f32 v13;
	v13 =	vld [tilespmem:s11+$0xB000];
	v19 =	vpop (erf)  }
0x1ef: {  	v6 =	vld.idx.msk [tilespmem:v3+s11+$0xFFFFFFD0 ss:$0x1], $0xffff;
	v31 =	vadd.f32 v29, v7;
	v24 =	vsub.f32 v14, v5;
	v19 =	vmul.f32 v19, v9  }
0x1f0: {  	vm0 =	vmmov vm0;
	v14 =	vld.idx.msk [tilespmem:v3+s11+$0xFFFFFFE0 ss:$0x1], $0xffff;
	v29 =	vsub.f32 v21, v4;
	v23 =	vadd.f32 v15, v7;
	v9 =	vpop (erf)  }
0x1f1: {  	(erf) = vrcp.f32 v24;
	v27 =	vmul.f32 v9, v12;
	v19 =	vnsel vm5, $0x0, v19  }
0x1f2: {  	v24 =	vadd.f32 v22, v7;
	vm5 =	vgt.f32 v12, $0.0e+00;
	v12 =	vpop (erf);
	v9 =	vadd.f32 v19, v10;
	v19 =	vld [tilespmem:s11+$0xB040]  }
0x1f3: {  	v22 =	vadd.f32 v25, v7;
	v26 =	vadd.f32 v13, v7;
	v15 =	vnsel vm5, $0x0, v27;
	v13 =	vpop (erf)  }
0x1f4: {  	v21 =	vld.idx.msk [tilespmem:v3+s11+$0x20 ss:$0x1], $0xffff;
	v27 =	vmul.f32 v12, v16;
	v16 =	vsub.f32 v20, v6;
	v28 =	vmul.f32 v13, v11;
	v11 =	vpop (erf)  }
0x1f5: {  	v33 =	vsub.f32 v24, v14;
	v24 =	vld.idx.msk [tilespmem:v3+s11+$0x0 ss:$0x1], $0xffff;
	v20 =	vimm.f32 $0.0e+00;
	v12 =	vpop (erf);
	v32 =	vmul.f32 v11, v17  }
0x1f6: {  	v13 =	vld.idx.msk [tilespmem:v3+s11+$0x30 ss:$0x1], $0xffff;
	(erf) = vrcp.f32 v16;
	v11 =	vimm.f32 $0.0e+00;
	v18 =	vmul.f32 v12, v18  }
0x1f7: {  	v17 =	vimm.f32 $0.0e+00;
	v16 =	vimm.f32 $0.0e+00;
	v12 =	vld.idx.msk [tilespmem:v3+s11+$0x10 ss:$0x1], $0xffff;
	v35 =	vadd.f32 v19, v7  }
0x1f8: {  	s10 =	simm.s32 $0x400;
	v25 =	vld.idx.msk [tilespmem:v3+s11+$0xFFFFFFC0 ss:$0x1], $0xffff;
	v34 =	vpop (erf);
	v30 =	vnsel vm6, $0x0, v18;
	v19 =	vimm.f32 $0.0e+00;
	v18 =	vimm.f32 $0.0e+00  }
.LBB2_9:
0x1f9: {  	v34 =	vmul.f32 v34, v8;
	_ =	sdelay $0x1  }
0x1fa: {  	s11 =	sshra.s32 s10, $0x2;
	p0 =	sne.s32 s10, $0x1E00;
	s10 =	sadd.s32 $0x200, s10;
	v28 =	vnsel vm4, $0x0, v28;
	v32 =	vnsel vm2, $0x0, v32;
	v8 =	vmov v13  }
0x1fb: {  	v31 =	vsub.f32 v31, v12;
	v36 =	vld.idx.msk [tilespmem:v3+s11+$0xFFFFFFF0 ss:$0x1], $0xffff;
	v13 =	vsub.f32 v35, v24;
	(erf) = vrcp.f32 v33;
	v33 =	vmovc v24  }
0x1fc: {  	v24 =	vsub.f32 v26, v25;
	v23 =	vsub.f32 v23, v8;
	v37 =	vld.idx.msk [tilespmem:v3+s11+$0xFFFFFFE0 ss:$0x1], $0xffff;
	v26 =	vnsel vm1, $0x0, v34;
	v34 =	vmovc v25  }
0x1fd: {  	v10 =	vadd.f32 v30, v10;
	v27 =	vnsel vm3, $0x0, v27;
	v25 =	vld.idx.msk [tilespmem:v3+s11+$0xFFFFFFD0 ss:$0x1], $0xffff;
	(erf) = vrcp.f32 v13;
	v30 =	vpop (erf)  }
0x1fe: {  	v20 =	vadd.f32 v28, v20;
	v19 =	vadd.f32 v32, v19;
	v35 =	vld [tilespmem:s11+$0xB010];
	(erf) = vrcp.f32 v29  }
0x1ff: {  	vm1 =	vgt.f32 v8, $0.0e+00;
	v29 =	vmul.f32 v30, v5;
	v5 =	vmovc v21;
	v13 =	vld.idx.msk [tilespmem:v3+s11+$0x30 ss:$0x1], $0xffff;
	(erf) = vrcp.f32 v31  }
0x200: {  	v11 =	vadd.f32 v26, v11;
	vm3 =	vgt.f32 v5, $0.0e+00;
	v21 =	vld [tilespmem:s11+$0xB030];
	(erf) = vrcp.f32 v24  }
0x201: {  	vm2 =	vgt.f32 v12, $0.0e+00;
	v24 =	vld [tilespmem:s11+$0xB070];
	(erf) = vrcp.f32 v23;
	v23 =	vnsel vm0, $0x0, v29  }
0x202: {  	v18 =	vadd.f32 v27, v18;
	vm0 =	vmmov vm3;
	v26 =	vld [tilespmem:s11+$0xB000];
	v28 =	vpop (erf);
	v17 =	vadd.f32 v23, v17  }
0x203: {  	v16 =	vadd.f32 v15, v16;
	v22 =	vsub.f32 v22, v5;
	v27 =	vld [tilespmem:s11+$0xB020];
	v23 =	vmul.f32 v28, v6  }
0x204: {  	vm6 =	vgt.f32 v6, $0.0e+00;
	vm4 =	vgt.f32 v4, $0.0e+00;
	vm3 =	vgt.f32 v33, $0.0e+00;
	v29 =	vld [tilespmem:s11+$0xB060];
	v6 =	vpop (erf)  }
0x205: {  	vm5 =	vgt.f32 v34, $0.0e+00;
	v30 =	vld [tilespmem:s11+$0xB050];
	v15 =	vnsel vm6, $0x0, v23;
	v28 =	vmul.f32 v6, v14;
	v6 =	vmovc v25  }
0x206: {  	vm6 =	vgt.f32 v14, $0.0e+00;
	v38 =	vld.idx.msk [tilespmem:v3+s11+$0x10 ss:$0x1], $0xffff;
	v23 =	vadd.f32 v24, v7;
	v9 =	vadd.f32 v15, v9;
	v14 =	vpop (erf)  }
0x207: {  	v26 =	vadd.f32 v26, v7;
	v39 =	vld [tilespmem:s11+$0xB040];
	v15 =	vnsel vm6, $0x0, v28;
	v25 =	vpop (erf);
	(erf) = vrcp.f32 v22  }
.Ltmp3:
0x208: {  	v31 =	vadd.f32 v35, v7;
	v32 =	vadd.f32 v27, v7;
	v24 =	vld.idx.msk [tilespmem:v3+s11+$0x0 ss:$0x1], $0xffff;
	v28 =	vmul.f32 v25, v4;
	v4 =	vpop (erf);
	(pc) =	sbr.rel @p0 .LBB2_9-.Ltmp3, $4  }
0x209: {  	v35 =	vadd.f32 v21, v7;
	v27 =	vmul.f32 v14, v33;
	v25 =	vld.idx.msk [tilespmem:v3+s11+$0xFFFFFFC0 ss:$0x1], $0xffff;
	v22 =	vadd.f32 v29, v7;
	v14 =	vpop (erf)  }
0x20a: {  	v40 =	vsub.f32 v31, v6;
	v31 =	vadd.f32 v30, v7;
	v21 =	vld.idx.msk [tilespmem:v3+s11+$0x20 ss:$0x1], $0xffff;
	v41 =	vmul.f32 v14, v34;
	v34 =	vpop (erf)  }
0x20b: {  	v29 =	vsub.f32 v35, v36;
	v33 =	vsub.f32 v32, v37;
	v32 =	vmul.f32 v4, v12;
	v4 =	vmovc v36  }
0x20c: {  	v14 =	vmovc v37;
	v12 =	vmovc v38;
	v35 =	vadd.f32 v39, v7;
	(erf) = vrcp.f32 v40;
	v30 =	vnsel vm5, $0x0, v41  }
0x20d: {  	_ = 	snop  }
0x20e: {  	v3 =	vsub.f32 v35, v24  }
0x20f: {  	(erf) = vrcp.f32 v33  }
0x210: {  	v7 =	vsub.f32 v31, v12;
	v40 =	vnsel vm4, $0x0, v28;
	(erf) = vrcp.f32 v3  }
0x211: {  	v41 =	vsub.f32 v23, v13;
	v3 =	vsub.f32 v26, v25;
	(erf) = vrcp.f32 v29  }
0x212: {  	v43 =	vnsel vm2, $0x0, v32;
	v10 =	vadd.f32 v30, v10;
	(erf) = vrcp.f32 v7  }
0x213: {  	v27 =	vnsel vm3, $0x0, v27;
	vm9 =	vgt.f32 v13, $0.0e+00;
	(erf) = vrcp.f32 v3  }
0x214: {  	vm11 =	vgt.f32 v12, $0.0e+00;
	v22 =	vsub.f32 v22, v21;
	v42 =	vpop (erf);
	(erf) = vrcp.f32 v41  }
0x215: {  	v15 =	vadd.f32 v15, v16;
	vm13 =	vgt.f32 v6, $0.0e+00;
	vm14 =	vgt.f32 v4, $0.0e+00  }
0x216: {  	vm5 =	vgt.f32 v24, $0.0e+00;
	vm15 =	vgt.f32 v14, $0.0e+00;
	v44 =	vpop (erf);
	(erf) = vrcp.f32 v22  }
0x217: {  	v19 =	vadd.f32 v43, v19;
	v18 =	vadd.f32 v27, v18;
	vm6 =	vgt.f32 v25, $0.0e+00  }
0x218: {  	vm10 =	vgt.f32 v21, $0.0e+00;
	v5 =	vmul.f32 v42, v5;
	v3 =	vmul.f32 v34, v8;
	v45 =	vpop (erf)  }
0x219: {  	vm12 =	vmmov vm10;
	v7 =	vadd.f32 v40, v20;
	v49 =	vmul.f32 v44, v6;
	v46 =	vpop (erf)  }
0x21a: {  	v5 =	vnsel vm0, $0x0, v5;
	v3 =	vnsel vm1, $0x0, v3;
	v8 =	vmul.f32 v45, v14;
	v47 =	vpop (erf)  }
0x21b: {  	v3 =	vadd.f32 v3, v11;
	v52 =	vnsel vm13, $0x0, v49;
	v48 =	vpop (erf);
	v53 =	vmul.f32 v47, v4  }
0x21c: {  	s10 =	sshll.u32 s8, $0x7;
	v9 =	vadd.f32 v52, v9;
	v8 =	vnsel vm15, $0x0, v8;
	v50 =	vpop (erf);
	v56 =	vmul.f32 v48, v12  }
0x21d: {  	s10 =	sand.u32 $0x3FFFFF80, s10;
	v8 =	vadd.f32 v8, v15;
	v51 =	vmul.f32 v50, v25;
	v55 =	vpop (erf);
	v4 =	vnsel vm14, $0x0, v53  }
0x21e: {  	[tilespmem:s10+$0xB890] =	vst v9;
	v4 =	vadd.f32 v4, v7;
	v60 =	vnsel vm11, $0x0, v56;
	v61 =	vmul.f32 v55, v13  }
0x21f: {  	s8 =	sadd.s32 $0x1, s8;
	v54 =	vmul.f32 v46, v24;
	[tilespmem:s10+$0xB8A0] =	vst v8;
	v57 =	vpop (erf);
	v6 =	vnsel vm6, $0x0, v51;
	v62 =	vadd.f32 v60, v19  }
0x220: {  	p0 =	sne.s32 s8, $0x10;
	v59 =	vmul.f32 v57, v21;
	v6 =	vadd.f32 v6, v10;
	[tilespmem:s10+$0xB8B0] =	vst v4;
	v63 =	vnsel vm9, $0x0, v61  }
.Ltmp4:
0x221: {  	v5 =	vadd.f32 v5, v17;
	v58 =	vnsel vm5, $0x0, v54;
	v3 =	vadd.f32 v63, v3;
	[tilespmem:s10+$0xB8D0] =	vst v62;
	(pc) =	sbr.rel @p0 .LBB2_6-.Ltmp4, $4  }
0x222: {  	v7 =	vnsel vm12, $0x0, v59;
	[tilespmem:s10+$0xB880] =	vst v6;
	v6 =	vadd.f32 v58, v18  }
0x223: {  	v5 =	vadd.f32 v7, v5;
	[tilespmem:s10+$0xB8F0] =	vst v3  }
0x224: {  	[tilespmem:s10+$0xB8C0] =	vst v6  }
0x225: {  	s9 =	sadd.s32 $0x800, s9;
	[tilespmem:s10+$0xB8E0] =	vst v5  }
0x226: {  	s6 =	sadd.s32 $0x1, s6  }
0x227: {  	p0 =	sne.s32 s6, s24  }
.Ltmp5:
0x228: {  	s8 =	simm.s32 $0xB880;
	(pc) =	sbr.rel @p0 .LBB2_1-.Ltmp5, $4  }
0x229: {  	[hbm4b:s23+s4] =	stream.linear.scatter [tilespmem:s8], [sflag:$0x4], $0x800, $0x38;
	[tilespmem:$0x1D180] =	vst v63  }
0x22a: {  	_ =	swait.ge [sflag:s0], $0x800  }
0x22b: {  	[sflag:s0] =	ssyncset.done $0x0  }
0x22c: {  	[sflag:s0] =	ssyncadd.s32 $0xFFFFF800  }
0x22d: {  	_ =	sfence.sel $0x180000  }
0x22e: {  	[bflag:$0x0] =	sbarrier.arrive $0xFFFF  }
0x22f: {  	_ =	strace $0x90000047  }
0x230: {  	s0 =	stileid.u32;
	[bflag:$0x2] =	sbarrier.arrive $0xFFFF  }
0x231: {  	p0 =	sne.s32 s0, $0x0;
	s0 =	rddreg [dreg:$0x4]  }
0x232: {  	s0 =	sadd.s32 @!p0 $0x100000, s0  }
0x233: {  	[sflag:s0] =	ssyncadd.tile.s32 @!p0 $0x1;
	_ =	shalt  }
.Lfunc_end2:
_tile_overlayer_lowered:
.L_overlay_start_2:
0x234: {  	(tag) =	ssettag $0x2  }
0x235: {  	s0 =	rddreg [dreg:$0x0];
	s2 =	stileid.u32  }
0x236: {  	s1 =	rddreg [dreg:$0x1];
	p0 =	sne.s32 s2, $0x0  }
0x237: {  	s3 =	rddreg [dreg:$0x2];
	[bflag:$0x3] =	sbarrier.arrive $0xFFFF;
	s2 =	simm.s32 @!p0 $0x1C04  }
0x238: {  	[timem:s3], [sflag:s2] =	dma.local @!p0 [hbm:s0], s1  }
0x239: {  	s0 =	simm.s32 @!p0 $0x4  }
0x23a: {  	_ =	swait.ge @!p0 [sflag:s0], s1  }
0x23b: {  	s1 =	ssub.s32 @!p0 $0x0, s1;
	[sflag:s0] =	ssyncset.done @!p0 $0x0  }
0x23c: {  	[sflag:s0] =	ssyncadd.s32 @!p0 s1  }
0x23d: {  	[bflag:$0x3] =	sbarrier.arrive $0xFFFF  }
0x23e: {  	_ =	shalt  }

</sc_bundles>
